<compile_context>
chip_gen: v7x
topology: tpu7x:2x2x1
jax: 0.10.2.dev20260603
libtpu: 0.0.44.dev20260713+nightly
codegen_flags: <defaults>
</compile_context>

<pallas_src>
import functools

import jax
import jax.numpy as jnp
from jax import lax
from jax.experimental import pallas as pl
from jax.experimental.pallas import tpu as pltpu
from jax.experimental.pallas import tpu_sc as plsc

_B, _S, _D, _T = 8, 512, 256, 2048
_K = 9
_HALO = _K // 2
_L = 16
_NC, _NS = 2, 16
_NW = _NC * _NS
_TPR = _NW // _B
_SPAN = _T // _TPR
_CHUNK = 128
_NCHUNK = _SPAN // _CHUNK
_ZROWS = 128



def _tc_body(enc_ref, w1_ref, b1_ref, w2_ref, b2_ref, g1_ref, be1_ref,
             g2_ref, be2_ref, wd_ref, bd_ref, dur_ref):
    x = enc_ref[0]

    def conv_block(xin, w_ref, b_ref, g_ref, be_ref):
        xp = jnp.pad(xin, ((_HALO, _HALO), (0, 0)))
        acc = jnp.broadcast_to(b_ref[...], (_S, _D))
        for k in range(_K):
            acc = acc + jnp.dot(xp[k:k + _S, :], w_ref[k],
                                preferred_element_type=jnp.float32)
        y = jnp.maximum(acc, 0.0) + xin
        mu = jnp.mean(y, axis=1, keepdims=True)
        var = jnp.mean((y - mu) ** 2, axis=1, keepdims=True)
        return (y - mu) / jnp.sqrt(var + 1e-6) * g_ref[...] + be_ref[...]

    c1 = conv_block(x, w1_ref, b1_ref, g1_ref, be1_ref)
    c2 = conv_block(c1, w2_ref, b2_ref, g2_ref, be2_ref)
    r = jnp.dot(c2, wd_ref[...], preferred_element_type=jnp.float32)
    dur_ref[...] = (r + bd_ref[...])[None]


def _tc_conv(enc, w1, b1, w2, b2, g1, be1, g2, be2, wd, bd):
    vec = pl.BlockSpec((1, _D), lambda b: (0, 0))
    return pl.pallas_call(
        _tc_body,
        grid=(_B,),
        in_specs=[
            pl.BlockSpec((1, _S, _D), lambda b: (b, 0, 0)),
            pl.BlockSpec((_K, _D, _D), lambda b: (0, 0, 0)),
            vec,
            pl.BlockSpec((_K, _D, _D), lambda b: (0, 0, 0)),
            vec, vec, vec, vec, vec,
            pl.BlockSpec((_D, 1), lambda b: (0, 0)),
            pl.BlockSpec((1, 1), lambda b: (0, 0)),
        ],
        out_specs=pl.BlockSpec((1, _S, 1), lambda b: (b, 0, 0)),
        out_shape=jax.ShapeDtypeStruct((_B, _S, 1), jnp.float32),
    )(enc, w1, b1, w2, b2, g1, be1, g2, be2, wd, bd)



def _sc_regulate_body(enc_hbm, dur_hbm, out_hbm, mask_hbm,
                      dur_v, cnt_v, idx_v, mask_v, rows_v, zero_v, sem):
    cid = lax.axis_index("c")
    sid = lax.axis_index("s")
    wid = sid * _NC + cid
    b = wid // _TPR
    t0 = (wid % _TPR) * _SPAN
    row0 = b * _T + t0

    pltpu.sync_copy(dur_hbm, dur_v)

    zvec_i = jnp.zeros((_L,), jnp.int32)
    zvec_f = jnp.zeros((_L,), jnp.float32)

    def zero_cnt(j, c):
        cnt_v[pl.ds(j * _L, _L)] = zvec_i
        return c
    lax.fori_loop(0, _SPAN // _L, zero_cnt, 0)


    ones_i = jnp.ones((_L,), jnp.int32)

    def pass1(i, carry):
        total, base = carry
        d = jnp.minimum(jnp.maximum(dur_v[b, pl.ds(i * _L, _L)], 1.0), 6.0)
        n0 = d.astype(jnp.int32)
        fr = d - n0.astype(jnp.float32)
        up = (fr > 0.5) | ((fr == 0.5) & ((n0 & 1) == 1))
        di = n0 + up.astype(jnp.int32)
        cs = plsc.cumsum(di) + total
        rel = cs - t0
        m = (rel >= 0) & (rel < _SPAN)
        relc = jnp.minimum(jnp.maximum(rel, 0), _SPAN - 1)
        plsc.store_scatter(cnt_v, [relc], ones_i, mask=m)
        total = total + jnp.sum(di)
        base = base + jnp.sum((cs < t0).astype(jnp.int32))
        return total, base

    total, base = lax.fori_loop(0, _S // _L, pass1, (0, 0))

    def pass2(j, c):
        s = plsc.cumsum(cnt_v[pl.ds(j * _L, _L)]) + c
        idx = jnp.minimum(s, _S - 1)
        idx_v[pl.ds(j * _L, _L)] = idx
        t = t0 + j * _L + lax.iota(jnp.int32, _L)
        mask_v[pl.ds(j * _L, _L)] = jnp.where(t < total, 1.0, 0.0)
        return jnp.max(s)
    lax.fori_loop(0, _SPAN // _L, pass2, base)

    pltpu.sync_copy(mask_v, mask_hbm.at[pl.ds(b * _T + t0, _SPAN)])

    valid_n = jnp.minimum(jnp.maximum(total - t0, 0), _SPAN)

    @pl.when(valid_n < _SPAN)
    def _():
        def zero_rows(r, c):
            for k in range(_D // _L):
                zero_v[r, pl.ds(k * _L, _L)] = zvec_f
            return c
        lax.fori_loop(0, _ZROWS, zero_rows, 0)

    def chunk_body(c, carry):
        start = pl.multiple_of(c * _CHUNK, _CHUNK)
        nv = jnp.minimum(valid_n - start, _CHUNK)
        off = pl.multiple_of(row0 + start, _CHUNK)

        @pl.when(nv > 0)
        def _():
            pltpu.async_copy(
                enc_hbm.at[b].at[idx_v.at[pl.ds(start, _CHUNK)]], rows_v, sem
            ).wait()

            def ztail(r, cc):
                for k in range(_D // _L):
                    rows_v[r, pl.ds(k * _L, _L)] = zvec_f
                return cc
            lax.fori_loop(nv, _CHUNK, ztail, 0)
            pltpu.sync_copy(rows_v, out_hbm.at[pl.ds(off, _CHUNK)])

        @pl.when(nv <= 0)
        def _():
            pltpu.sync_copy(zero_v, out_hbm.at[pl.ds(off, _ZROWS)])
        return carry
    lax.fori_loop(0, _NCHUNK, chunk_body, 0)


def _sc_regulate(enc, dur):
    mesh = plsc.VectorSubcoreMesh(core_axis_name="c", subcore_axis_name="s",
                                  num_cores=_NC, num_subcores=_NS)
    kern = functools.partial(
        pl.kernel,
        out_type=(
            jax.ShapeDtypeStruct((_B * _T, _D), jnp.float32),
            jax.ShapeDtypeStruct((_B * _T,), jnp.float32),
        ),
        mesh=mesh,
        scratch_types=[
            pltpu.VMEM((_B, _S), jnp.float32),
            pltpu.VMEM((_SPAN,), jnp.int32),
            pltpu.VMEM((_SPAN,), jnp.int32),
            pltpu.VMEM((_SPAN,), jnp.float32),
            pltpu.VMEM((_CHUNK, _D), jnp.float32),
            pltpu.VMEM((_ZROWS, _D), jnp.float32),
            pltpu.SemaphoreType.DMA,
        ],
        compiler_params=pltpu.CompilerParams(needs_layout_passes=False),
    )(_sc_regulate_body)
    return kern(enc, dur)



def kernel(encoder_output, phone_durations_input, w1, b1, w2, b2,
           g1, be1, g2, be2, wd, bd, training=False):
    del training
    dur_col = _tc_conv(encoder_output, w1, b1.reshape(1, _D),
                       w2, b2.reshape(1, _D), g1.reshape(1, _D),
                       be1.reshape(1, _D), g2.reshape(1, _D),
                       be2.reshape(1, _D), wd, bd.reshape(1, 1))
    reg_flat, mask = _sc_regulate(encoder_output, phone_durations_input)
    return (reg_flat.reshape(_B, _T, _D),
            dur_col.reshape(_B, _S),
            mask.reshape(_B, _T))

# --- scband reference (transcript-rebuilt; emitter-appended) ---
"""Pipeline reference for scband-variance-adaptor-34789235098001 (READ-ONLY COPY).

The authoritative reference and input builder live on the scoring server;
editing this copy changes nothing except your own understanding.
"""

import jax, jax.numpy as jnp
import numpy as np

MIN_DURATION = 1.0
MAX_DURATION = 6.0
TARGET_LENGTH = 2048
MEL_SPEC_PADDING_VALUE = 0.0


def _layer_norm(x, g, b, eps=1e-6):
    mu = jnp.mean(x, axis=-1, keepdims=True)
    var = jnp.mean((x - mu) ** 2, axis=-1, keepdims=True)
    return (x - mu) / jnp.sqrt(var + eps) * g + b


def _conv1d_same(x, w, b):
    y = jax.lax.conv_general_dilated(x, w, window_strides=(1,), padding='SAME',
                                     dimension_numbers=('NWC', 'WIO', 'NWC'))
    return y + b


def _regulate_length(enc, dur):
    # clip + round durations, then expand each phoneme frame by its duration.
    d = jnp.clip(dur, MIN_DURATION, MAX_DURATION)
    di = jnp.round(jax.lax.stop_gradient(d)).astype(jnp.int32)  # [B, S]
    csum = jnp.cumsum(di, axis=1)                               # [B, S]
    total = csum[:, -1:]                                        # [B, 1]
    pos = jnp.arange(TARGET_LENGTH)                             # [T]
    # output position t belongs to phoneme i where csum[i-1] <= t < csum[i]
    idx = jax.vmap(lambda c: jnp.searchsorted(c, pos, side='right'))(csum)  # [B, T]
    idx = jnp.minimum(idx, enc.shape[1] - 1)
    gathered = jnp.take_along_axis(enc, idx[:, :, None], axis=1)            # [B, T, D]
    valid = pos[None, :] < total                                            # [B, T]
    reg = jnp.where(valid[:, :, None], gathered, MEL_SPEC_PADDING_VALUE)
    mask = jnp.where(valid, 1.0, MEL_SPEC_PADDING_VALUE)
    return reg, mask


def setup_inputs(seed: int = 0):
    B, S, D, K = 8, 512, 256, 9
    key = jax.random.key(seed)
    ks = jax.random.split(key, 6)
    return {
        'encoder_output': jax.random.normal(ks[0], (B, S, D), dtype=jnp.float32),
        'phone_durations_input': jax.random.uniform(ks[1], (B, S), minval=0.0, maxval=MAX_DURATION, dtype=jnp.float32),
        'w1': jax.random.normal(ks[2], (K, D, D), dtype=jnp.float32) * 0.02,
        'b1': jnp.zeros((D,), dtype=jnp.float32),
        'w2': jax.random.normal(ks[3], (K, D, D), dtype=jnp.float32) * 0.02,
        'b2': jnp.zeros((D,), dtype=jnp.float32),
        'g1': jnp.ones((D,), dtype=jnp.float32),
        'be1': jnp.zeros((D,), dtype=jnp.float32),
        'g2': jnp.ones((D,), dtype=jnp.float32),
        'be2': jnp.zeros((D,), dtype=jnp.float32),
        'wd': jax.random.normal(ks[4], (D, 1), dtype=jnp.float32) * 0.02,
        'bd': jnp.zeros((1,), dtype=jnp.float32),
        'training': False,
    }


def reference(encoder_output, phone_durations_input, w1, b1, w2, b2, g1, be1, g2, be2, wd, bd, training=False):
    # conv block 1 (dropout is identity at inference)
    c1 = jax.nn.relu(_conv1d_same(encoder_output, w1, b1))
    c1 = _layer_norm(c1 + encoder_output, g1, be1)
    # conv block 2
    c2 = jax.nn.relu(_conv1d_same(c1, w2, b2))
    c2 = _layer_norm(c2 + c1, g2, be2)
    # length regulation on the raw encoder output
    regulated_output, updated_masks = _regulate_length(encoder_output, phone_durations_input)
    # duration predictor
    duration_predictions = jnp.squeeze(c2 @ wd + bd, axis=-1)
    return (regulated_output, duration_predictions, updated_masks)

if __name__ == "__main__":
    import jax
    _d = setup_inputs()
    print(jax.jit(kernel)(*tuple(_d.values())))

</pallas_src>

<mosaic_0001>
#map = affine_map<(d0, d1) -> (0, 0, 0)>
#map1 = affine_map<(d0, d1) -> (0, 0)>
#map2 = affine_map<(d0, d1) -> (0)>
module attributes {stable_mosaic.version = 14 : i64} {
  func.func @_sc_regulate_body(%arg0: i32, %arg1: i32, %arg2: memref<8x512x256xf32, #tpu.memory_space<hbm>>, %arg3: memref<8x512xf32, #tpu.memory_space<hbm>>, %arg4: memref<16384x256xf32, #tpu.memory_space<hbm>>, %arg5: memref<16384xf32, #tpu.memory_space<hbm>>, %arg6: memref<8x512xf32, #tpu.memory_space<vmem>>, %arg7: memref<512xi32, #tpu.memory_space<vmem>>, %arg8: memref<512xi32, #tpu.memory_space<vmem>>, %arg9: memref<512xf32, #tpu.memory_space<vmem>>, %arg10: memref<128x256xf32, #tpu.memory_space<vmem>>, %arg11: memref<128x256xf32, #tpu.memory_space<vmem>>, %arg12: memref<!tpu.dma_semaphore, #tpu.memory_space<semaphore_mem>>) attributes {dimension_semantics = [#tpu.dimension_semantics<core_parallel>, #tpu.dimension_semantics<subcore_parallel>], iteration_bounds = array<i64: 2, 16>, scalar_prefetch = 0 : i64, scratch_operands = 7 : i64, tpu.core_type = #tpu.core_type<sc_vector_subcore>, window_params = [{transform_indices = #map}, {transform_indices = #map1}, {transform_indices = #map1}, {transform_indices = #map2}]} {
    %mul3A = arith.constant 2 : i32
    %mul3A_0 = arith.muli %arg1, %mul3A : i32
    %add3A = arith.addi %mul3A_0, %arg0 : i32
    %jit3A = arith.constant 4 : i32
    %div3A = arith.divsi %add3A, %jit3A : i32
    %sign3A = arith.constant 0 : i32
    %sign3A_1 = arith.cmpi sgt, %add3A, %sign3A : i32
    %sign3A_2 = arith.extui %sign3A_1 : i1 to i32
    %sign3A_3 = arith.constant 0 : i32
    %sign3A_4 = arith.cmpi slt, %add3A, %sign3A_3 : i32
    %sign3A_5 = arith.extui %sign3A_4 : i1 to i32
    %sign3A_6 = arith.subi %sign3A_2, %sign3A_5 : i32
    %sign3A_7 = arith.constant 0 : i32
    %sign3A_8 = arith.cmpi sgt, %jit3A, %sign3A_7 : i32
    %sign3A_9 = arith.extui %sign3A_8 : i1 to i32
    %sign3A_10 = arith.constant 0 : i32
    %sign3A_11 = arith.cmpi slt, %jit3A, %sign3A_10 : i32
    %sign3A_12 = arith.extui %sign3A_11 : i1 to i32
    %sign3A_13 = arith.subi %sign3A_9, %sign3A_12 : i32
    %ne3A = arith.cmpi ne, %sign3A_6, %sign3A_13 : i32
    %rem3A = arith.remsi %add3A, %jit3A : i32
    %ne3A_14 = arith.constant 0 : i32
    %ne3A_15 = arith.cmpi ne, %rem3A, %ne3A_14 : i32
    %and3A = arith.andi %ne3A, %ne3A_15 : i1
    %sub3A = arith.constant 1 : i32
    %sub3A_16 = arith.subi %div3A, %sub3A : i32
    %select_n3A = arith.select %and3A, %sub3A_16, %div3A : i32
    %jit3A_17 = arith.constant 4 : i32
    %eq3A = arith.constant 0 : i32
    %eq3A_18 = arith.cmpi eq, %jit3A_17, %eq3A : i32
    %jit3A_19 = arith.constant 1 : i32
    %select_n3A_20 = arith.select %eq3A_18, %jit3A_19, %jit3A_17 : i32
    %rem3A_21 = arith.remsi %add3A, %select_n3A_20 : i32
    %ne3A_22 = arith.constant 0 : i32
    %ne3A_23 = arith.cmpi ne, %rem3A_21, %ne3A_22 : i32
    %lt3A = arith.constant 0 : i32
    %lt3A_24 = arith.cmpi slt, %rem3A_21, %lt3A : i32
    %lt3A_25 = arith.constant 0 : i32
    %lt3A_26 = arith.cmpi slt, %select_n3A_20, %lt3A_25 : i32
    %ne3A_27 = arith.xori %lt3A_24, %lt3A_26 : i1
    %and3A_28 = arith.andi %ne3A_27, %ne3A_23 : i1
    %add3A_29 = arith.addi %rem3A_21, %select_n3A_20 : i32
    %select_n3A_30 = arith.select %and3A_28, %add3A_29, %rem3A_21 : i32
    %mul3A_31 = arith.constant 512 : i32
    %mul3A_32 = arith.muli %select_n3A_30, %mul3A_31 : i32
    %mul3A_33 = arith.constant 2048 : i32
    %mul3A_34 = arith.muli %select_n3A, %mul3A_33 : i32
    %add3A_35 = arith.addi %mul3A_34, %mul3A_32 : i32
    "tpu.region"() ({
      %run_scoped3A = tpu.sem_alloc : memref<!tpu.dma_semaphore, #tpu.memory_space<semaphore_mem>>
      tpu.enqueue_dma source(%arg3 : memref<8x512xf32, #tpu.memory_space<hbm>>) target(%arg6 : memref<8x512xf32, #tpu.memory_space<vmem>>) target_semaphore(%run_scoped3A : memref<!tpu.dma_semaphore, #tpu.memory_space<semaphore_mem>>)
      tpu.wait_dma2 semaphore(%run_scoped3A : memref<!tpu.dma_semaphore, #tpu.memory_space<semaphore_mem>>) src(%arg3 : memref<8x512xf32, #tpu.memory_space<hbm>>) dst(%arg6 : memref<8x512xf32, #tpu.memory_space<vmem>>)
      tpu.yield
    }) : () -> ()
    %broadcast_in_dim3A = arith.constant 0 : i32
    %broadcast_in_dim3A_36 = vector.broadcast %broadcast_in_dim3A : i32 to vector<16xi32>
    %broadcast_in_dim3A_37 = arith.constant 0.000000e+00 : f32
    %broadcast_in_dim3A_38 = vector.broadcast %broadcast_in_dim3A_37 : f32 to vector<16xf32>
    %scan3A = arith.constant 0 : i32
    %scan3A_39 = arith.constant 0 : i32
    %scan3A_40 = arith.constant 32 : i32
    %scan3A_41 = arith.addi %scan3A_39, %scan3A_40 : i32
    %scan3A_42 = arith.constant 1 : i32
    scf.for %scan3A_75 = %scan3A_39 to %scan3A_41 step %scan3A_42  : i32 {
      %mul3A_76 = arith.constant 16 : i32
      %mul3A_77 = arith.muli %scan3A_75, %mul3A_76 : i32
      %swap3A = arith.index_cast %mul3A_77 : i32 to index
      %swap3A_78 = tpu.vector_load %arg7[%swap3A] {strides = array<i32>} : memref<512xi32, #tpu.memory_space<vmem>>, vector<16xi32>,
      tpu.vector_store %arg7[%swap3A], %broadcast_in_dim3A_36 {strides = array<i32>} : memref<512xi32, #tpu.memory_space<vmem>>, vector<16xi32>,
    }
    %scan3A_43 = arith.constant 32 : i32
    %broadcast_in_dim3A_44 = arith.constant 1 : i32
    %broadcast_in_dim3A_45 = vector.broadcast %broadcast_in_dim3A_44 : i32 to vector<16xi32>
    %scan3A_46 = arith.constant 0 : i32
    %scan3A_47 = arith.constant 0 : i32
    %scan3A_48 = arith.constant 0 : i32
    %scan3A_49 = arith.constant 32 : i32
    %scan3A_50 = arith.addi %scan3A_48, %scan3A_49 : i32
    %scan3A_51 = arith.constant 1 : i32
    %scan3A_52:2 = scf.for %scan3A_75 = %scan3A_48 to %scan3A_50 step %scan3A_51 iter_args(%scan3A_76 = %scan3A_46, %scan3A_77 = %scan3A_47) -> (i32, i32)  : i32 {
      %mul3A_78 = arith.constant 16 : i32
      %mul3A_79 = arith.muli %scan3A_75, %mul3A_78 : i32
      %get3A = arith.index_cast %select_n3A : i32 to index
      %get3A_80 = arith.index_cast %mul3A_79 : i32 to index
      %get3A_81 = tpu.vector_load %arg6[%get3A, %get3A_80] {strides = array<i32>} : memref<8x512xf32, #tpu.memory_space<vmem>>, vector<16xf32>,
      %max3A_82 = arith.constant 1.000000e+00 : f32
      %max3A_83 = vector.broadcast %max3A_82 : f32 to vector<16xf32>
      %max3A_84 = arith.maximumf %get3A_81, %max3A_83 : vector<16xf32>
      %min3A_85 = arith.constant 6.000000e+00 : f32
      %min3A_86 = vector.broadcast %min3A_85 : f32 to vector<16xf32>
      %min3A_87 = arith.minimumf %max3A_84, %min3A_86 : vector<16xf32>
      %convert_element_type3A_88 = arith.fptosi %min3A_87 : vector<16xf32> to vector<16xi32>
      %convert_element_type3A_89 = arith.sitofp %convert_element_type3A_88 : vector<16xi32> to vector<16xf32>
      %sub3A_90 = arith.subf %min3A_87, %convert_element_type3A_89 : vector<16xf32>
      %gt3A = arith.constant 5.000000e-01 : f32
      %gt3A_91 = vector.broadcast %gt3A : f32 to vector<16xf32>
      %gt3A_92 = arith.cmpf ogt, %sub3A_90, %gt3A_91 : vector<16xf32>
      %eq3A_93 = arith.constant 5.000000e-01 : f32
      %eq3A_94 = vector.broadcast %eq3A_93 : f32 to vector<16xf32>
      %eq3A_95 = arith.cmpf oeq, %sub3A_90, %eq3A_94 : vector<16xf32>
      %and3A_96 = arith.constant 1 : i32
      %and3A_97 = vector.broadcast %and3A_96 : i32 to vector<16xi32>
      %and3A_98 = arith.andi %convert_element_type3A_88, %and3A_97 : vector<16xi32>
      %eq3A_99 = arith.constant 1 : i32
      %eq3A_100 = vector.broadcast %eq3A_99 : i32 to vector<16xi32>
      %eq3A_101 = arith.cmpi eq, %and3A_98, %eq3A_100 : vector<16xi32>
      %and3A_102 = arith.andi %eq3A_95, %eq3A_101 : vector<16xi1>
      %or3A = arith.ori %gt3A_92, %and3A_102 : vector<16xi1>
      %convert_element_type3A_103 = arith.extui %or3A : vector<16xi1> to vector<16xi32>
      %add3A_104 = arith.addi %convert_element_type3A_88, %convert_element_type3A_103 : vector<16xi32>
      %broadcast_in_dim3A_105 = arith.constant true
      %broadcast_in_dim3A_106 = vector.broadcast %broadcast_in_dim3A_105 : i1 to vector<16xi1>
      %masked_cumsum3A = tpu.scan <sum>, %add3A_104 masked %broadcast_in_dim3A_106 : vector<16xi32>, vector<16xi1> -> vector<16xi32>
      %add3A_107 = vector.broadcast %scan3A_76 : i32 to vector<16xi32>
      %add3A_108 = arith.addi %masked_cumsum3A, %add3A_107 : vector<16xi32>
      %sub3A_109 = vector.broadcast %mul3A_32 : i32 to vector<16xi32>
      %sub3A_110 = arith.subi %add3A_108, %sub3A_109 : vector<16xi32>
      %ge3A = arith.constant 0 : i32
      %ge3A_111 = vector.broadcast %ge3A : i32 to vector<16xi32>
      %ge3A_112 = arith.cmpi sge, %sub3A_110, %ge3A_111 : vector<16xi32>
      %lt3A_113 = arith.constant 512 : i32
      %lt3A_114 = vector.broadcast %lt3A_113 : i32 to vector<16xi32>
      %lt3A_115 = arith.cmpi slt, %sub3A_110, %lt3A_114 : vector<16xi32>
      %and3A_116 = arith.andi %ge3A_112, %lt3A_115 : vector<16xi1>
      %max3A_117 = arith.constant 0 : i32
      %max3A_118 = vector.broadcast %max3A_117 : i32 to vector<16xi32>
      %max3A_119 = arith.maxsi %sub3A_110, %max3A_118 : vector<16xi32>
      %min3A_120 = arith.constant 511 : i32
      %min3A_121 = vector.broadcast %min3A_120 : i32 to vector<16xi32>
      %min3A_122 = arith.minsi %max3A_119, %min3A_121 : vector<16xi32>
      tpu.vector_store_idx %arg7[%min3A_122], %broadcast_in_dim3A_45 masked %and3A_116 : memref<512xi32, #tpu.memory_space<vmem>>[vector<16xi32>], vector<16xi32>, vector<16xi1>
      %reduce_sum3A = arith.constant true
      %reduce_sum3A_123 = vector.broadcast %reduce_sum3A : i1 to vector<16xi1>
      %reduce_sum3A_124 = tpu.scan <sum>, %add3A_104 masked %reduce_sum3A_123 : vector<16xi32>, vector<16xi1> -> vector<16xi32>
      %reduce_sum3A_125 = vector.extract %reduce_sum3A_124[15] : i32 from vector<16xi32>
      %add3A_126 = arith.addi %scan3A_76, %reduce_sum3A_125 : i32
      %lt3A_127 = vector.broadcast %mul3A_32 : i32 to vector<16xi32>
      %lt3A_128 = arith.cmpi slt, %add3A_108, %lt3A_127 : vector<16xi32>
      %convert_element_type3A_129 = arith.extui %lt3A_128 : vector<16xi1> to vector<16xi32>
      %reduce_sum3A_130 = arith.constant true
      %reduce_sum3A_131 = vector.broadcast %reduce_sum3A_130 : i1 to vector<16xi1>
      %reduce_sum3A_132 = tpu.scan <sum>, %convert_element_type3A_129 masked %reduce_sum3A_131 : vector<16xi32>, vector<16xi1> -> vector<16xi32>
      %reduce_sum3A_133 = vector.extract %reduce_sum3A_132[15] : i32 from vector<16xi32>
      %add3A_134 = arith.addi %scan3A_77, %reduce_sum3A_133 : i32
      scf.yield %add3A_126, %add3A_134 : i32, i32
    }
    %scan3A_53 = arith.constant 32 : i32
    %scan3A_54 = arith.constant 0 : i32
    %scan3A_55 = arith.constant 32 : i32
    %scan3A_56 = arith.addi %scan3A_54, %scan3A_55 : i32
    %scan3A_57 = arith.constant 1 : i32
    %scan3A_58 = scf.for %scan3A_75 = %scan3A_54 to %scan3A_56 step %scan3A_57 iter_args(%scan3A_76 = %scan3A_52#1) -> (i32)  : i32 {
      %mul3A_77 = arith.constant 16 : i32
      %mul3A_78 = arith.muli %scan3A_75, %mul3A_77 : i32
      %get3A = arith.index_cast %mul3A_78 : i32 to index
      %get3A_79 = tpu.vector_load %arg7[%get3A] {strides = array<i32>} : memref<512xi32, #tpu.memory_space<vmem>>, vector<16xi32>,
      %broadcast_in_dim3A_80 = arith.constant true
      %broadcast_in_dim3A_81 = vector.broadcast %broadcast_in_dim3A_80 : i1 to vector<16xi1>
      %masked_cumsum3A = tpu.scan <sum>, %get3A_79 masked %broadcast_in_dim3A_81 : vector<16xi32>, vector<16xi1> -> vector<16xi32>
      %add3A_82 = vector.broadcast %scan3A_76 : i32 to vector<16xi32>
      %add3A_83 = arith.addi %masked_cumsum3A, %add3A_82 : vector<16xi32>
      %min3A_84 = arith.constant 511 : i32
      %min3A_85 = vector.broadcast %min3A_84 : i32 to vector<16xi32>
      %min3A_86 = arith.minsi %add3A_83, %min3A_85 : vector<16xi32>
      %mul3A_87 = arith.constant 16 : i32
      %mul3A_88 = arith.muli %scan3A_75, %mul3A_87 : i32
      %swap3A = arith.index_cast %mul3A_88 : i32 to index
      %swap3A_89 = tpu.vector_load %arg8[%swap3A] {strides = array<i32>} : memref<512xi32, #tpu.memory_space<vmem>>, vector<16xi32>,
      tpu.vector_store %arg8[%swap3A], %min3A_86 {strides = array<i32>} : memref<512xi32, #tpu.memory_space<vmem>>, vector<16xi32>,
      %mul3A_90 = arith.constant 16 : i32
      %mul3A_91 = arith.muli %scan3A_75, %mul3A_90 : i32
      %add3A_92 = arith.addi %mul3A_32, %mul3A_91 : i32
      %iota3A = tpu.iota {dimensions = array<i32: 0>} : vector<16xi32>
      %add3A_93 = vector.broadcast %add3A_92 : i32 to vector<16xi32>
      %add3A_94 = arith.addi %add3A_93, %iota3A : vector<16xi32>
      %lt3A_95 = vector.broadcast %scan3A_52#0 : i32 to vector<16xi32>
      %lt3A_96 = arith.cmpi slt, %add3A_94, %lt3A_95 : vector<16xi32>
      %jit3A_97 = arith.constant 1.000000e+00 : f32
      %jit3A_98 = arith.constant 0.000000e+00 : f32
      %broadcast_in_dim3A_99 = vector.broadcast %jit3A_97 : f32 to vector<16xf32>
      %broadcast_in_dim3A_100 = vector.broadcast %jit3A_98 : f32 to vector<16xf32>
      %select_n3A_101 = arith.select %lt3A_96, %broadcast_in_dim3A_99, %broadcast_in_dim3A_100 : vector<16xi1>, vector<16xf32>
      %mul3A_102 = arith.constant 16 : i32
      %mul3A_103 = arith.muli %scan3A_75, %mul3A_102 : i32
      %swap3A_104 = arith.index_cast %mul3A_103 : i32 to index
      %swap3A_105 = tpu.vector_load %arg9[%swap3A_104] {strides = array<i32>} : memref<512xf32, #tpu.memory_space<vmem>>, vector<16xf32>,
      tpu.vector_store %arg9[%swap3A_104], %select_n3A_101 {strides = array<i32>} : memref<512xf32, #tpu.memory_space<vmem>>, vector<16xf32>,
      %reduce_max3A = arith.constant true
      %reduce_max3A_106 = vector.broadcast %reduce_max3A : i1 to vector<16xi1>
      %reduce_max3A_107 = arith.constant -2147483648 : i32
      %reduce_max3A_108 = vector.broadcast %reduce_max3A_107 : i32 to vector<16xi32>
      %reduce_max3A_109 = arith.xori %add3A_83, %reduce_max3A_108 : vector<16xi32>
      %reduce_max3A_110 = tpu.scan <max>, %reduce_max3A_109 masked %reduce_max3A_106 : vector<16xi32>, vector<16xi1> -> vector<16xi32>
      %reduce_max3A_111 = arith.xori %reduce_max3A_110, %reduce_max3A_108 : vector<16xi32>
      %reduce_max3A_112 = vector.extract %reduce_max3A_111[15] : i32 from vector<16xi32>
      scf.yield %reduce_max3A_112 : i32
    }
    %scan3A_59 = arith.constant 32 : i32
    %mul3A_60 = arith.constant 2048 : i32
    %mul3A_61 = arith.muli %select_n3A, %mul3A_60 : i32
    %add3A_62 = arith.addi %mul3A_61, %mul3A_32 : i32
    "tpu.region"() ({
      %run_scoped3A = tpu.sem_alloc : memref<!tpu.dma_semaphore, #tpu.memory_space<semaphore_mem>>
      %dma_start3A = tpu.memref_slice %arg5[%add3A_62] : memref<16384xf32, #tpu.memory_space<hbm>> -> memref<512xf32, #tpu.memory_space<hbm>>
      %dma_start3A_75 = tpu.memref_slice %arg5[%add3A_62] : memref<16384xf32, #tpu.memory_space<hbm>> -> memref<512xf32, #tpu.memory_space<hbm>>
      tpu.enqueue_dma source(%arg9 : memref<512xf32, #tpu.memory_space<vmem>>) target(%dma_start3A_75 : memref<512xf32, #tpu.memory_space<hbm>>) target_semaphore(%run_scoped3A : memref<!tpu.dma_semaphore, #tpu.memory_space<semaphore_mem>>)
      %dma_wait3A = tpu.memref_slice %arg5[%add3A_62] : memref<16384xf32, #tpu.memory_space<hbm>> -> memref<512xf32, #tpu.memory_space<hbm>>
      %dma_wait3A_76 = tpu.memref_slice %arg5[%add3A_62] : memref<16384xf32, #tpu.memory_space<hbm>> -> memref<512xf32, #tpu.memory_space<hbm>>
      tpu.wait_dma2 semaphore(%run_scoped3A : memref<!tpu.dma_semaphore, #tpu.memory_space<semaphore_mem>>) src(%arg9 : memref<512xf32, #tpu.memory_space<vmem>>) dst(%dma_wait3A_76 : memref<512xf32, #tpu.memory_space<hbm>>)
      tpu.yield
    }) : () -> ()
    %sub3A_63 = arith.subi %scan3A_52#0, %mul3A_32 : i32
    %max3A = arith.constant 0 : i32
    %max3A_64 = arith.maxsi %sub3A_63, %max3A : i32
    %min3A = arith.constant 512 : i32
    %min3A_65 = arith.minsi %max3A_64, %min3A : i32
    %lt3A_66 = arith.constant 512 : i32
    %lt3A_67 = arith.cmpi slt, %min3A_65, %lt3A_66 : i32
    %convert_element_type3A = arith.extui %lt3A_67 : i1 to i32
    %cond3A = arith.constant 0 : i32
    %cond3A_68 = arith.cmpi ne, %convert_element_type3A, %cond3A : i32
    scf.if %cond3A_68 {
      %scan3A_75 = arith.constant 0 : i32
      %scan3A_76 = arith.constant 0 : i32
      %scan3A_77 = arith.constant 128 : i32
      %scan3A_78 = arith.addi %scan3A_76, %scan3A_77 : i32
      %scan3A_79 = arith.constant 1 : i32
      scf.for %scan3A_81 = %scan3A_76 to %scan3A_78 step %scan3A_79  : i32 {
        %swap3A = arith.index_cast %scan3A_81 : i32 to index
        %swap3A_82 = arith.constant 0 : index
        %swap3A_83 = tpu.vector_load %arg11[%swap3A, %swap3A_82] {strides = array<i32>} : memref<128x256xf32, #tpu.memory_space<vmem>>, vector<16xf32>,
        tpu.vector_store %arg11[%swap3A, %swap3A_82], %broadcast_in_dim3A_38 {strides = array<i32>} : memref<128x256xf32, #tpu.memory_space<vmem>>, vector<16xf32>,
        %swap3A_84 = arith.index_cast %scan3A_81 : i32 to index
        %swap3A_85 = arith.constant 16 : index
        %swap3A_86 = tpu.vector_load %arg11[%swap3A_84, %swap3A_85] {strides = array<i32>} : memref<128x256xf32, #tpu.memory_space<vmem>>, vector<16xf32>,
        tpu.vector_store %arg11[%swap3A_84, %swap3A_85], %broadcast_in_dim3A_38 {strides = array<i32>} : memref<128x256xf32, #tpu.memory_space<vmem>>, vector<16xf32>,
        %swap3A_87 = arith.index_cast %scan3A_81 : i32 to index
        %swap3A_88 = arith.constant 32 : index
        %swap3A_89 = tpu.vector_load %arg11[%swap3A_87, %swap3A_88] {strides = array<i32>} : memref<128x256xf32, #tpu.memory_space<vmem>>, vector<16xf32>,
        tpu.vector_store %arg11[%swap3A_87, %swap3A_88], %broadcast_in_dim3A_38 {strides = array<i32>} : memref<128x256xf32, #tpu.memory_space<vmem>>, vector<16xf32>,
        %swap3A_90 = arith.index_cast %scan3A_81 : i32 to index
        %swap3A_91 = arith.constant 48 : index
        %swap3A_92 = tpu.vector_load %arg11[%swap3A_90, %swap3A_91] {strides = array<i32>} : memref<128x256xf32, #tpu.memory_space<vmem>>, vector<16xf32>,
        tpu.vector_store %arg11[%swap3A_90, %swap3A_91], %broadcast_in_dim3A_38 {strides = array<i32>} : memref<128x256xf32, #tpu.memory_space<vmem>>, vector<16xf32>,
        %swap3A_93 = arith.index_cast %scan3A_81 : i32 to index
        %swap3A_94 = arith.constant 64 : index
        %swap3A_95 = tpu.vector_load %arg11[%swap3A_93, %swap3A_94] {strides = array<i32>} : memref<128x256xf32, #tpu.memory_space<vmem>>, vector<16xf32>,
        tpu.vector_store %arg11[%swap3A_93, %swap3A_94], %broadcast_in_dim3A_38 {strides = array<i32>} : memref<128x256xf32, #tpu.memory_space<vmem>>, vector<16xf32>,
        %swap3A_96 = arith.index_cast %scan3A_81 : i32 to index
        %swap3A_97 = arith.constant 80 : index
        %swap3A_98 = tpu.vector_load %arg11[%swap3A_96, %swap3A_97] {strides = array<i32>} : memref<128x256xf32, #tpu.memory_space<vmem>>, vector<16xf32>,
        tpu.vector_store %arg11[%swap3A_96, %swap3A_97], %broadcast_in_dim3A_38 {strides = array<i32>} : memref<128x256xf32, #tpu.memory_space<vmem>>, vector<16xf32>,
        %swap3A_99 = arith.index_cast %scan3A_81 : i32 to index
        %swap3A_100 = arith.constant 96 : index
        %swap3A_101 = tpu.vector_load %arg11[%swap3A_99, %swap3A_100] {strides = array<i32>} : memref<128x256xf32, #tpu.memory_space<vmem>>, vector<16xf32>,
        tpu.vector_store %arg11[%swap3A_99, %swap3A_100], %broadcast_in_dim3A_38 {strides = array<i32>} : memref<128x256xf32, #tpu.memory_space<vmem>>, vector<16xf32>,
        %swap3A_102 = arith.index_cast %scan3A_81 : i32 to index
        %swap3A_103 = arith.constant 112 : index
        %swap3A_104 = tpu.vector_load %arg11[%swap3A_102, %swap3A_103] {strides = array<i32>} : memref<128x256xf32, #tpu.memory_space<vmem>>, vector<16xf32>,
        tpu.vector_store %arg11[%swap3A_102, %swap3A_103], %broadcast_in_dim3A_38 {strides = array<i32>} : memref<128x256xf32, #tpu.memory_space<vmem>>, vector<16xf32>,
        %swap3A_105 = arith.index_cast %scan3A_81 : i32 to index
        %swap3A_106 = arith.constant 128 : index
        %swap3A_107 = tpu.vector_load %arg11[%swap3A_105, %swap3A_106] {strides = array<i32>} : memref<128x256xf32, #tpu.memory_space<vmem>>, vector<16xf32>,
        tpu.vector_store %arg11[%swap3A_105, %swap3A_106], %broadcast_in_dim3A_38 {strides = array<i32>} : memref<128x256xf32, #tpu.memory_space<vmem>>, vector<16xf32>,
        %swap3A_108 = arith.index_cast %scan3A_81 : i32 to index
        %swap3A_109 = arith.constant 144 : index
        %swap3A_110 = tpu.vector_load %arg11[%swap3A_108, %swap3A_109] {strides = array<i32>} : memref<128x256xf32, #tpu.memory_space<vmem>>, vector<16xf32>,
        tpu.vector_store %arg11[%swap3A_108, %swap3A_109], %broadcast_in_dim3A_38 {strides = array<i32>} : memref<128x256xf32, #tpu.memory_space<vmem>>, vector<16xf32>,
        %swap3A_111 = arith.index_cast %scan3A_81 : i32 to index
        %swap3A_112 = arith.constant 160 : index
        %swap3A_113 = tpu.vector_load %arg11[%swap3A_111, %swap3A_112] {strides = array<i32>} : memref<128x256xf32, #tpu.memory_space<vmem>>, vector<16xf32>,
        tpu.vector_store %arg11[%swap3A_111, %swap3A_112], %broadcast_in_dim3A_38 {strides = array<i32>} : memref<128x256xf32, #tpu.memory_space<vmem>>, vector<16xf32>,
        %swap3A_114 = arith.index_cast %scan3A_81 : i32 to index
        %swap3A_115 = arith.constant 176 : index
        %swap3A_116 = tpu.vector_load %arg11[%swap3A_114, %swap3A_115] {strides = array<i32>} : memref<128x256xf32, #tpu.memory_space<vmem>>, vector<16xf32>,
        tpu.vector_store %arg11[%swap3A_114, %swap3A_115], %broadcast_in_dim3A_38 {strides = array<i32>} : memref<128x256xf32, #tpu.memory_space<vmem>>, vector<16xf32>,
        %swap3A_117 = arith.index_cast %scan3A_81 : i32 to index
        %swap3A_118 = arith.constant 192 : index
        %swap3A_119 = tpu.vector_load %arg11[%swap3A_117, %swap3A_118] {strides = array<i32>} : memref<128x256xf32, #tpu.memory_space<vmem>>, vector<16xf32>,
        tpu.vector_store %arg11[%swap3A_117, %swap3A_118], %broadcast_in_dim3A_38 {strides = array<i32>} : memref<128x256xf32, #tpu.memory_space<vmem>>, vector<16xf32>,
        %swap3A_120 = arith.index_cast %scan3A_81 : i32 to index
        %swap3A_121 = arith.constant 208 : index
        %swap3A_122 = tpu.vector_load %arg11[%swap3A_120, %swap3A_121] {strides = array<i32>} : memref<128x256xf32, #tpu.memory_space<vmem>>, vector<16xf32>,
        tpu.vector_store %arg11[%swap3A_120, %swap3A_121], %broadcast_in_dim3A_38 {strides = array<i32>} : memref<128x256xf32, #tpu.memory_space<vmem>>, vector<16xf32>,
        %swap3A_123 = arith.index_cast %scan3A_81 : i32 to index
        %swap3A_124 = arith.constant 224 : index
        %swap3A_125 = tpu.vector_load %arg11[%swap3A_123, %swap3A_124] {strides = array<i32>} : memref<128x256xf32, #tpu.memory_space<vmem>>, vector<16xf32>,
        tpu.vector_store %arg11[%swap3A_123, %swap3A_124], %broadcast_in_dim3A_38 {strides = array<i32>} : memref<128x256xf32, #tpu.memory_space<vmem>>, vector<16xf32>,
        %swap3A_126 = arith.index_cast %scan3A_81 : i32 to index
        %swap3A_127 = arith.constant 240 : index
        %swap3A_128 = tpu.vector_load %arg11[%swap3A_126, %swap3A_127] {strides = array<i32>} : memref<128x256xf32, #tpu.memory_space<vmem>>, vector<16xf32>,
        tpu.vector_store %arg11[%swap3A_126, %swap3A_127], %broadcast_in_dim3A_38 {strides = array<i32>} : memref<128x256xf32, #tpu.memory_space<vmem>>, vector<16xf32>,
      }
      %scan3A_80 = arith.constant 128 : i32
    } else {
    }
    %scan3A_69 = arith.constant 0 : i32
    %scan3A_70 = arith.constant 0 : i32
    %scan3A_71 = arith.constant 4 : i32
    %scan3A_72 = arith.addi %scan3A_70, %scan3A_71 : i32
    %scan3A_73 = arith.constant 1 : i32
    scf.for %scan3A_75 = %scan3A_70 to %scan3A_72 step %scan3A_73  : i32 {
      %mul3A_76 = arith.constant 128 : i32
      %mul3A_77 = arith.muli %scan3A_75, %mul3A_76 : i32
      %multiple_of3A = tpu.assume_multiple %mul3A_77, 128 : i32
      %sub3A_78 = arith.subi %min3A_65, %multiple_of3A : i32
      %min3A_79 = arith.constant 128 : i32
      %min3A_80 = arith.minsi %sub3A_78, %min3A_79 : i32
      %add3A_81 = arith.addi %add3A_35, %multiple_of3A : i32
      %multiple_of3A_82 = tpu.assume_multiple %add3A_81, 128 : i32
      %gt3A = arith.constant 0 : i32
      %gt3A_83 = arith.cmpi sgt, %min3A_80, %gt3A : i32
      %convert_element_type3A_84 = arith.extui %gt3A_83 : i1 to i32
      %cond3A_85 = arith.constant 0 : i32
      %cond3A_86 = arith.cmpi ne, %convert_element_type3A_84, %cond3A_85 : i32
      scf.if %cond3A_86 {
        %dma_start3A = tpu.memref_slice %arg8[%multiple_of3A] : memref<512xi32, #tpu.memory_space<vmem>> -> memref<128xi32, #tpu.memory_space<vmem>>
        %dma_start3A_91 = arith.constant 0 : i32
        %dma_start3A_92 = arith.constant 0 : i32
        %dma_start3A_93 = tpu.memref_slice %arg2[%select_n3A, %dma_start3A_91, %dma_start3A_92] : memref<8x512x256xf32, #tpu.memory_space<hbm>> -> memref<1x512x256xf32, #tpu.memory_space<hbm>>
        %dma_start3A_94 = tpu.memref_squeeze %dma_start3A_93 : memref<1x512x256xf32, #tpu.memory_space<hbm>> -> memref<512x256xf32, #tpu.memory_space<hbm>>
        %dma_start3A_95 = arith.constant 0 : i32
        %dma_start3A_96 = arith.constant 0 : i32
        %dma_start3A_97 = tpu.memref_slice %dma_start3A_94[%dma_start3A_95, %dma_start3A_96] : memref<512x256xf32, #tpu.memory_space<hbm>> -> memref<512x256xf32, #tpu.memory_space<hbm>>
        tpu.enqueue_indirect_dma source(%dma_start3A_97 : memref<512x256xf32, #tpu.memory_space<hbm>>) target(%arg10 : memref<128x256xf32, #tpu.memory_space<vmem>>) offsets(%dma_start3A : memref<128xi32, #tpu.memory_space<vmem>>) semaphore(%arg12 : memref<!tpu.dma_semaphore, #tpu.memory_space<semaphore_mem>>)
        %dma_wait3A = tpu.memref_slice %arg8[%multiple_of3A] : memref<512xi32, #tpu.memory_space<vmem>> -> memref<128xi32, #tpu.memory_space<vmem>>
        %dma_wait3A_98 = arith.constant 0 : i32
        %dma_wait3A_99 = arith.constant 0 : i32
        %dma_wait3A_100 = tpu.memref_slice %arg2[%select_n3A, %dma_wait3A_98, %dma_wait3A_99] : memref<8x512x256xf32, #tpu.memory_space<hbm>> -> memref<1x512x256xf32, #tpu.memory_space<hbm>>
        %dma_wait3A_101 = tpu.memref_squeeze %dma_wait3A_100 : memref<1x512x256xf32, #tpu.memory_space<hbm>> -> memref<512x256xf32, #tpu.memory_space<hbm>>
        %dma_wait3A_102 = arith.constant 0 : i32
        %dma_wait3A_103 = arith.constant 0 : i32
        %dma_wait3A_104 = tpu.memref_slice %dma_wait3A_101[%dma_wait3A_102, %dma_wait3A_103] : memref<512x256xf32, #tpu.memory_space<hbm>> -> memref<512x256xf32, #tpu.memory_space<hbm>>
        tpu.wait_indirect_dma semaphore(%arg12 : memref<!tpu.dma_semaphore, #tpu.memory_space<semaphore_mem>>) src(%dma_wait3A_104 : memref<512x256xf32, #tpu.memory_space<hbm>>) dst(%arg10 : memref<128x256xf32, #tpu.memory_space<vmem>>)
        %while3A = arith.constant 0 : i32
        %while3A_105 = arith.constant 128 : i32
        %while3A_106 = arith.subi %while3A_105, %min3A_80 : i32
        %while3A_107 = arith.addi %min3A_80, %while3A_106 : i32
        %while3A_108 = arith.constant 1 : i32
        %while3A_109 = arith.divsi %while3A_106, %while3A_108 : i32
        %while3A_110 = arith.muli %while3A_109, %while3A_108 : i32
        %while3A_111 = arith.addi %min3A_80, %while3A_110 : i32
        %while3A_112 = arith.constant 1 : i32
        scf.for %while3A_114 = %min3A_80 to %while3A_111 step %while3A_112  : i32 {
          %swap3A = arith.index_cast %while3A_114 : i32 to index
          %swap3A_115 = arith.constant 0 : index
          %swap3A_116 = tpu.vector_load %arg10[%swap3A, %swap3A_115] {strides = array<i32>} : memref<128x256xf32, #tpu.memory_space<vmem>>, vector<16xf32>,
          tpu.vector_store %arg10[%swap3A, %swap3A_115], %broadcast_in_dim3A_38 {strides = array<i32>} : memref<128x256xf32, #tpu.memory_space<vmem>>, vector<16xf32>,
          %swap3A_117 = arith.index_cast %while3A_114 : i32 to index
          %swap3A_118 = arith.constant 16 : index
          %swap3A_119 = tpu.vector_load %arg10[%swap3A_117, %swap3A_118] {strides = array<i32>} : memref<128x256xf32, #tpu.memory_space<vmem>>, vector<16xf32>,
          tpu.vector_store %arg10[%swap3A_117, %swap3A_118], %broadcast_in_dim3A_38 {strides = array<i32>} : memref<128x256xf32, #tpu.memory_space<vmem>>, vector<16xf32>,
          %swap3A_120 = arith.index_cast %while3A_114 : i32 to index
          %swap3A_121 = arith.constant 32 : index
          %swap3A_122 = tpu.vector_load %arg10[%swap3A_120, %swap3A_121] {strides = array<i32>} : memref<128x256xf32, #tpu.memory_space<vmem>>, vector<16xf32>,
          tpu.vector_store %arg10[%swap3A_120, %swap3A_121], %broadcast_in_dim3A_38 {strides = array<i32>} : memref<128x256xf32, #tpu.memory_space<vmem>>, vector<16xf32>,
          %swap3A_123 = arith.index_cast %while3A_114 : i32 to index
          %swap3A_124 = arith.constant 48 : index
          %swap3A_125 = tpu.vector_load %arg10[%swap3A_123, %swap3A_124] {strides = array<i32>} : memref<128x256xf32, #tpu.memory_space<vmem>>, vector<16xf32>,
          tpu.vector_store %arg10[%swap3A_123, %swap3A_124], %broadcast_in_dim3A_38 {strides = array<i32>} : memref<128x256xf32, #tpu.memory_space<vmem>>, vector<16xf32>,
          %swap3A_126 = arith.index_cast %while3A_114 : i32 to index
          %swap3A_127 = arith.constant 64 : index
          %swap3A_128 = tpu.vector_load %arg10[%swap3A_126, %swap3A_127] {strides = array<i32>} : memref<128x256xf32, #tpu.memory_space<vmem>>, vector<16xf32>,
          tpu.vector_store %arg10[%swap3A_126, %swap3A_127], %broadcast_in_dim3A_38 {strides = array<i32>} : memref<128x256xf32, #tpu.memory_space<vmem>>, vector<16xf32>,
          %swap3A_129 = arith.index_cast %while3A_114 : i32 to index
          %swap3A_130 = arith.constant 80 : index
          %swap3A_131 = tpu.vector_load %arg10[%swap3A_129, %swap3A_130] {strides = array<i32>} : memref<128x256xf32, #tpu.memory_space<vmem>>, vector<16xf32>,
          tpu.vector_store %arg10[%swap3A_129, %swap3A_130], %broadcast_in_dim3A_38 {strides = array<i32>} : memref<128x256xf32, #tpu.memory_space<vmem>>, vector<16xf32>,
          %swap3A_132 = arith.index_cast %while3A_114 : i32 to index
          %swap3A_133 = arith.constant 96 : index
          %swap3A_134 = tpu.vector_load %arg10[%swap3A_132, %swap3A_133] {strides = array<i32>} : memref<128x256xf32, #tpu.memory_space<vmem>>, vector<16xf32>,
          tpu.vector_store %arg10[%swap3A_132, %swap3A_133], %broadcast_in_dim3A_38 {strides = array<i32>} : memref<128x256xf32, #tpu.memory_space<vmem>>, vector<16xf32>,
          %swap3A_135 = arith.index_cast %while3A_114 : i32 to index
          %swap3A_136 = arith.constant 112 : index
          %swap3A_137 = tpu.vector_load %arg10[%swap3A_135, %swap3A_136] {strides = array<i32>} : memref<128x256xf32, #tpu.memory_space<vmem>>, vector<16xf32>,
          tpu.vector_store %arg10[%swap3A_135, %swap3A_136], %broadcast_in_dim3A_38 {strides = array<i32>} : memref<128x256xf32, #tpu.memory_space<vmem>>, vector<16xf32>,
          %swap3A_138 = arith.index_cast %while3A_114 : i32 to index
          %swap3A_139 = arith.constant 128 : index
          %swap3A_140 = tpu.vector_load %arg10[%swap3A_138, %swap3A_139] {strides = array<i32>} : memref<128x256xf32, #tpu.memory_space<vmem>>, vector<16xf32>,
          tpu.vector_store %arg10[%swap3A_138, %swap3A_139], %broadcast_in_dim3A_38 {strides = array<i32>} : memref<128x256xf32, #tpu.memory_space<vmem>>, vector<16xf32>,
          %swap3A_141 = arith.index_cast %while3A_114 : i32 to index
          %swap3A_142 = arith.constant 144 : index
          %swap3A_143 = tpu.vector_load %arg10[%swap3A_141, %swap3A_142] {strides = array<i32>} : memref<128x256xf32, #tpu.memory_space<vmem>>, vector<16xf32>,
          tpu.vector_store %arg10[%swap3A_141, %swap3A_142], %broadcast_in_dim3A_38 {strides = array<i32>} : memref<128x256xf32, #tpu.memory_space<vmem>>, vector<16xf32>,
          %swap3A_144 = arith.index_cast %while3A_114 : i32 to index
          %swap3A_145 = arith.constant 160 : index
          %swap3A_146 = tpu.vector_load %arg10[%swap3A_144, %swap3A_145] {strides = array<i32>} : memref<128x256xf32, #tpu.memory_space<vmem>>, vector<16xf32>,
          tpu.vector_store %arg10[%swap3A_144, %swap3A_145], %broadcast_in_dim3A_38 {strides = array<i32>} : memref<128x256xf32, #tpu.memory_space<vmem>>, vector<16xf32>,
          %swap3A_147 = arith.index_cast %while3A_114 : i32 to index
          %swap3A_148 = arith.constant 176 : index
          %swap3A_149 = tpu.vector_load %arg10[%swap3A_147, %swap3A_148] {strides = array<i32>} : memref<128x256xf32, #tpu.memory_space<vmem>>, vector<16xf32>,
          tpu.vector_store %arg10[%swap3A_147, %swap3A_148], %broadcast_in_dim3A_38 {strides = array<i32>} : memref<128x256xf32, #tpu.memory_space<vmem>>, vector<16xf32>,
          %swap3A_150 = arith.index_cast %while3A_114 : i32 to index
          %swap3A_151 = arith.constant 192 : index
          %swap3A_152 = tpu.vector_load %arg10[%swap3A_150, %swap3A_151] {strides = array<i32>} : memref<128x256xf32, #tpu.memory_space<vmem>>, vector<16xf32>,
          tpu.vector_store %arg10[%swap3A_150, %swap3A_151], %broadcast_in_dim3A_38 {strides = array<i32>} : memref<128x256xf32, #tpu.memory_space<vmem>>, vector<16xf32>,
          %swap3A_153 = arith.index_cast %while3A_114 : i32 to index
          %swap3A_154 = arith.constant 208 : index
          %swap3A_155 = tpu.vector_load %arg10[%swap3A_153, %swap3A_154] {strides = array<i32>} : memref<128x256xf32, #tpu.memory_space<vmem>>, vector<16xf32>,
          tpu.vector_store %arg10[%swap3A_153, %swap3A_154], %broadcast_in_dim3A_38 {strides = array<i32>} : memref<128x256xf32, #tpu.memory_space<vmem>>, vector<16xf32>,
          %swap3A_156 = arith.index_cast %while3A_114 : i32 to index
          %swap3A_157 = arith.constant 224 : index
          %swap3A_158 = tpu.vector_load %arg10[%swap3A_156, %swap3A_157] {strides = array<i32>} : memref<128x256xf32, #tpu.memory_space<vmem>>, vector<16xf32>,
          tpu.vector_store %arg10[%swap3A_156, %swap3A_157], %broadcast_in_dim3A_38 {strides = array<i32>} : memref<128x256xf32, #tpu.memory_space<vmem>>, vector<16xf32>,
          %swap3A_159 = arith.index_cast %while3A_114 : i32 to index
          %swap3A_160 = arith.constant 240 : index
          %swap3A_161 = tpu.vector_load %arg10[%swap3A_159, %swap3A_160] {strides = array<i32>} : memref<128x256xf32, #tpu.memory_space<vmem>>, vector<16xf32>,
          tpu.vector_store %arg10[%swap3A_159, %swap3A_160], %broadcast_in_dim3A_38 {strides = array<i32>} : memref<128x256xf32, #tpu.memory_space<vmem>>, vector<16xf32>,
        }
        %while3A_113 = arith.constant 1 : i32
        scf.for %while3A_114 = %while3A_111 to %while3A_107 step %while3A_113  : i32 {
          %swap3A = arith.index_cast %while3A_114 : i32 to index
          %swap3A_115 = arith.constant 0 : index
          %swap3A_116 = tpu.vector_load %arg10[%swap3A, %swap3A_115] {strides = array<i32>} : memref<128x256xf32, #tpu.memory_space<vmem>>, vector<16xf32>,
          tpu.vector_store %arg10[%swap3A, %swap3A_115], %broadcast_in_dim3A_38 {strides = array<i32>} : memref<128x256xf32, #tpu.memory_space<vmem>>, vector<16xf32>,
          %swap3A_117 = arith.index_cast %while3A_114 : i32 to index
          %swap3A_118 = arith.constant 16 : index
          %swap3A_119 = tpu.vector_load %arg10[%swap3A_117, %swap3A_118] {strides = array<i32>} : memref<128x256xf32, #tpu.memory_space<vmem>>, vector<16xf32>,
          tpu.vector_store %arg10[%swap3A_117, %swap3A_118], %broadcast_in_dim3A_38 {strides = array<i32>} : memref<128x256xf32, #tpu.memory_space<vmem>>, vector<16xf32>,
          %swap3A_120 = arith.index_cast %while3A_114 : i32 to index
          %swap3A_121 = arith.constant 32 : index
          %swap3A_122 = tpu.vector_load %arg10[%swap3A_120, %swap3A_121] {strides = array<i32>} : memref<128x256xf32, #tpu.memory_space<vmem>>, vector<16xf32>,
          tpu.vector_store %arg10[%swap3A_120, %swap3A_121], %broadcast_in_dim3A_38 {strides = array<i32>} : memref<128x256xf32, #tpu.memory_space<vmem>>, vector<16xf32>,
          %swap3A_123 = arith.index_cast %while3A_114 : i32 to index
          %swap3A_124 = arith.constant 48 : index
          %swap3A_125 = tpu.vector_load %arg10[%swap3A_123, %swap3A_124] {strides = array<i32>} : memref<128x256xf32, #tpu.memory_space<vmem>>, vector<16xf32>,
          tpu.vector_store %arg10[%swap3A_123, %swap3A_124], %broadcast_in_dim3A_38 {strides = array<i32>} : memref<128x256xf32, #tpu.memory_space<vmem>>, vector<16xf32>,
          %swap3A_126 = arith.index_cast %while3A_114 : i32 to index
          %swap3A_127 = arith.constant 64 : index
          %swap3A_128 = tpu.vector_load %arg10[%swap3A_126, %swap3A_127] {strides = array<i32>} : memref<128x256xf32, #tpu.memory_space<vmem>>, vector<16xf32>,
          tpu.vector_store %arg10[%swap3A_126, %swap3A_127], %broadcast_in_dim3A_38 {strides = array<i32>} : memref<128x256xf32, #tpu.memory_space<vmem>>, vector<16xf32>,
          %swap3A_129 = arith.index_cast %while3A_114 : i32 to index
          %swap3A_130 = arith.constant 80 : index
          %swap3A_131 = tpu.vector_load %arg10[%swap3A_129, %swap3A_130] {strides = array<i32>} : memref<128x256xf32, #tpu.memory_space<vmem>>, vector<16xf32>,
          tpu.vector_store %arg10[%swap3A_129, %swap3A_130], %broadcast_in_dim3A_38 {strides = array<i32>} : memref<128x256xf32, #tpu.memory_space<vmem>>, vector<16xf32>,
          %swap3A_132 = arith.index_cast %while3A_114 : i32 to index
          %swap3A_133 = arith.constant 96 : index
          %swap3A_134 = tpu.vector_load %arg10[%swap3A_132, %swap3A_133] {strides = array<i32>} : memref<128x256xf32, #tpu.memory_space<vmem>>, vector<16xf32>,
          tpu.vector_store %arg10[%swap3A_132, %swap3A_133], %broadcast_in_dim3A_38 {strides = array<i32>} : memref<128x256xf32, #tpu.memory_space<vmem>>, vector<16xf32>,
          %swap3A_135 = arith.index_cast %while3A_114 : i32 to index
          %swap3A_136 = arith.constant 112 : index
          %swap3A_137 = tpu.vector_load %arg10[%swap3A_135, %swap3A_136] {strides = array<i32>} : memref<128x256xf32, #tpu.memory_space<vmem>>, vector<16xf32>,
          tpu.vector_store %arg10[%swap3A_135, %swap3A_136], %broadcast_in_dim3A_38 {strides = array<i32>} : memref<128x256xf32, #tpu.memory_space<vmem>>, vector<16xf32>,
          %swap3A_138 = arith.index_cast %while3A_114 : i32 to index
          %swap3A_139 = arith.constant 128 : index
          %swap3A_140 = tpu.vector_load %arg10[%swap3A_138, %swap3A_139] {strides = array<i32>} : memref<128x256xf32, #tpu.memory_space<vmem>>, vector<16xf32>,
          tpu.vector_store %arg10[%swap3A_138, %swap3A_139], %broadcast_in_dim3A_38 {strides = array<i32>} : memref<128x256xf32, #tpu.memory_space<vmem>>, vector<16xf32>,
          %swap3A_141 = arith.index_cast %while3A_114 : i32 to index
          %swap3A_142 = arith.constant 144 : index
          %swap3A_143 = tpu.vector_load %arg10[%swap3A_141, %swap3A_142] {strides = array<i32>} : memref<128x256xf32, #tpu.memory_space<vmem>>, vector<16xf32>,
          tpu.vector_store %arg10[%swap3A_141, %swap3A_142], %broadcast_in_dim3A_38 {strides = array<i32>} : memref<128x256xf32, #tpu.memory_space<vmem>>, vector<16xf32>,
          %swap3A_144 = arith.index_cast %while3A_114 : i32 to index
          %swap3A_145 = arith.constant 160 : index
          %swap3A_146 = tpu.vector_load %arg10[%swap3A_144, %swap3A_145] {strides = array<i32>} : memref<128x256xf32, #tpu.memory_space<vmem>>, vector<16xf32>,
          tpu.vector_store %arg10[%swap3A_144, %swap3A_145], %broadcast_in_dim3A_38 {strides = array<i32>} : memref<128x256xf32, #tpu.memory_space<vmem>>, vector<16xf32>,
          %swap3A_147 = arith.index_cast %while3A_114 : i32 to index
          %swap3A_148 = arith.constant 176 : index
          %swap3A_149 = tpu.vector_load %arg10[%swap3A_147, %swap3A_148] {strides = array<i32>} : memref<128x256xf32, #tpu.memory_space<vmem>>, vector<16xf32>,
          tpu.vector_store %arg10[%swap3A_147, %swap3A_148], %broadcast_in_dim3A_38 {strides = array<i32>} : memref<128x256xf32, #tpu.memory_space<vmem>>, vector<16xf32>,
          %swap3A_150 = arith.index_cast %while3A_114 : i32 to index
          %swap3A_151 = arith.constant 192 : index
          %swap3A_152 = tpu.vector_load %arg10[%swap3A_150, %swap3A_151] {strides = array<i32>} : memref<128x256xf32, #tpu.memory_space<vmem>>, vector<16xf32>,
          tpu.vector_store %arg10[%swap3A_150, %swap3A_151], %broadcast_in_dim3A_38 {strides = array<i32>} : memref<128x256xf32, #tpu.memory_space<vmem>>, vector<16xf32>,
          %swap3A_153 = arith.index_cast %while3A_114 : i32 to index
          %swap3A_154 = arith.constant 208 : index
          %swap3A_155 = tpu.vector_load %arg10[%swap3A_153, %swap3A_154] {strides = array<i32>} : memref<128x256xf32, #tpu.memory_space<vmem>>, vector<16xf32>,
          tpu.vector_store %arg10[%swap3A_153, %swap3A_154], %broadcast_in_dim3A_38 {strides = array<i32>} : memref<128x256xf32, #tpu.memory_space<vmem>>, vector<16xf32>,
          %swap3A_156 = arith.index_cast %while3A_114 : i32 to index
          %swap3A_157 = arith.constant 224 : index
          %swap3A_158 = tpu.vector_load %arg10[%swap3A_156, %swap3A_157] {strides = array<i32>} : memref<128x256xf32, #tpu.memory_space<vmem>>, vector<16xf32>,
          tpu.vector_store %arg10[%swap3A_156, %swap3A_157], %broadcast_in_dim3A_38 {strides = array<i32>} : memref<128x256xf32, #tpu.memory_space<vmem>>, vector<16xf32>,
          %swap3A_159 = arith.index_cast %while3A_114 : i32 to index
          %swap3A_160 = arith.constant 240 : index
          %swap3A_161 = tpu.vector_load %arg10[%swap3A_159, %swap3A_160] {strides = array<i32>} : memref<128x256xf32, #tpu.memory_space<vmem>>, vector<16xf32>,
          tpu.vector_store %arg10[%swap3A_159, %swap3A_160], %broadcast_in_dim3A_38 {strides = array<i32>} : memref<128x256xf32, #tpu.memory_space<vmem>>, vector<16xf32>,
        }
        "tpu.region"() ({
          %run_scoped3A = tpu.sem_alloc : memref<!tpu.dma_semaphore, #tpu.memory_space<semaphore_mem>>
          %dma_start3A_114 = arith.constant 0 : i32
          %dma_start3A_115 = tpu.memref_slice %arg4[%multiple_of3A_82, %dma_start3A_114] : memref<16384x256xf32, #tpu.memory_space<hbm>> -> memref<128x256xf32, #tpu.memory_space<hbm>>
          %dma_start3A_116 = arith.constant 0 : i32
          %dma_start3A_117 = tpu.memref_slice %arg4[%multiple_of3A_82, %dma_start3A_116] : memref<16384x256xf32, #tpu.memory_space<hbm>> -> memref<128x256xf32, #tpu.memory_space<hbm>>
          tpu.enqueue_dma source(%arg10 : memref<128x256xf32, #tpu.memory_space<vmem>>) target(%dma_start3A_117 : memref<128x256xf32, #tpu.memory_space<hbm>>) target_semaphore(%run_scoped3A : memref<!tpu.dma_semaphore, #tpu.memory_space<semaphore_mem>>)
          %dma_wait3A_118 = arith.constant 0 : i32
          %dma_wait3A_119 = tpu.memref_slice %arg4[%multiple_of3A_82, %dma_wait3A_118] : memref<16384x256xf32, #tpu.memory_space<hbm>> -> memref<128x256xf32, #tpu.memory_space<hbm>>
          %dma_wait3A_120 = arith.constant 0 : i32
          %dma_wait3A_121 = tpu.memref_slice %arg4[%multiple_of3A_82, %dma_wait3A_120] : memref<16384x256xf32, #tpu.memory_space<hbm>> -> memref<128x256xf32, #tpu.memory_space<hbm>>
          tpu.wait_dma2 semaphore(%run_scoped3A : memref<!tpu.dma_semaphore, #tpu.memory_space<semaphore_mem>>) src(%arg10 : memref<128x256xf32, #tpu.memory_space<vmem>>) dst(%dma_wait3A_121 : memref<128x256xf32, #tpu.memory_space<hbm>>)
          tpu.yield
        }) : () -> ()
      } else {
      }
      %le3A = arith.constant 0 : i32
      %le3A_87 = arith.cmpi sle, %min3A_80, %le3A : i32
      %convert_element_type3A_88 = arith.extui %le3A_87 : i1 to i32
      %cond3A_89 = arith.constant 0 : i32
      %cond3A_90 = arith.cmpi ne, %convert_element_type3A_88, %cond3A_89 : i32
      scf.if %cond3A_90 {
        "tpu.region"() ({
          %run_scoped3A = tpu.sem_alloc : memref<!tpu.dma_semaphore, #tpu.memory_space<semaphore_mem>>
          %dma_start3A = arith.constant 0 : i32
          %dma_start3A_91 = tpu.memref_slice %arg4[%multiple_of3A_82, %dma_start3A] : memref<16384x256xf32, #tpu.memory_space<hbm>> -> memref<128x256xf32, #tpu.memory_space<hbm>>
          %dma_start3A_92 = arith.constant 0 : i32
          %dma_start3A_93 = tpu.memref_slice %arg4[%multiple_of3A_82, %dma_start3A_92] : memref<16384x256xf32, #tpu.memory_space<hbm>> -> memref<128x256xf32, #tpu.memory_space<hbm>>
          tpu.enqueue_dma source(%arg11 : memref<128x256xf32, #tpu.memory_space<vmem>>) target(%dma_start3A_93 : memref<128x256xf32, #tpu.memory_space<hbm>>) target_semaphore(%run_scoped3A : memref<!tpu.dma_semaphore, #tpu.memory_space<semaphore_mem>>)
          %dma_wait3A = arith.constant 0 : i32
          %dma_wait3A_94 = tpu.memref_slice %arg4[%multiple_of3A_82, %dma_wait3A] : memref<16384x256xf32, #tpu.memory_space<hbm>> -> memref<128x256xf32, #tpu.memory_space<hbm>>
          %dma_wait3A_95 = arith.constant 0 : i32
          %dma_wait3A_96 = tpu.memref_slice %arg4[%multiple_of3A_82, %dma_wait3A_95] : memref<16384x256xf32, #tpu.memory_space<hbm>> -> memref<128x256xf32, #tpu.memory_space<hbm>>
          tpu.wait_dma2 semaphore(%run_scoped3A : memref<!tpu.dma_semaphore, #tpu.memory_space<semaphore_mem>>) src(%arg11 : memref<128x256xf32, #tpu.memory_space<vmem>>) dst(%dma_wait3A_96 : memref<128x256xf32, #tpu.memory_space<hbm>>)
          tpu.yield
        }) : () -> ()
      } else {
      }
    }
    %scan3A_74 = arith.constant 4 : i32
    return
  }
}

module attributes {stable_mosaic.version = 14 : i64} {
  func.func @_tc_body(%arg0: i32, %arg1: memref<1x512x256xf32, #tpu.memory_space<vmem>>, %arg2: memref<9x256x256xf32, #tpu.memory_space<vmem>>, %arg3: memref<1x256xf32, #tpu.memory_space<vmem>>, %arg4: memref<9x256x256xf32, #tpu.memory_space<vmem>>, %arg5: memref<1x256xf32, #tpu.memory_space<vmem>>, %arg6: memref<1x256xf32, #tpu.memory_space<vmem>>, %arg7: memref<1x256xf32, #tpu.memory_space<vmem>>, %arg8: memref<1x256xf32, #tpu.memory_space<vmem>>, %arg9: memref<1x256xf32, #tpu.memory_space<vmem>>, %arg10: memref<256x1xf32, #tpu.memory_space<vmem>>, %arg11: memref<1x1xf32, #tpu.memory_space<vmem>>, %arg12: memref<1x512x1xf32, #tpu.memory_space<vmem>>) attributes {dimension_semantics = [#tpu.dimension_semantics<arbitrary>], iteration_bounds = array<i64: 8>, scalar_prefetch = 0 : i64, scratch_operands = 0 : i64, tpu.core_type = #tpu.core_type<tc>, window_params = [{transform_indices = @transform_0, window_bounds = array<i64: 1, 512, 256>}, {pipeline_mode = #tpu.pipeline_mode<synchronous>, transform_indices = @transform_1, window_bounds = array<i64: 9, 256, 256>}, {pipeline_mode = #tpu.pipeline_mode<synchronous>, transform_indices = @transform_2, window_bounds = array<i64: 1, 256>}, {pipeline_mode = #tpu.pipeline_mode<synchronous>, transform_indices = @transform_3, window_bounds = array<i64: 9, 256, 256>}, {pipeline_mode = #tpu.pipeline_mode<synchronous>, transform_indices = @transform_4, window_bounds = array<i64: 1, 256>}, {pipeline_mode = #tpu.pipeline_mode<synchronous>, transform_indices = @transform_5, window_bounds = array<i64: 1, 256>}, {pipeline_mode = #tpu.pipeline_mode<synchronous>, transform_indices = @transform_6, window_bounds = array<i64: 1, 256>}, {pipeline_mode = #tpu.pipeline_mode<synchronous>, transform_indices = @transform_7, window_bounds = array<i64: 1, 256>}, {pipeline_mode = #tpu.pipeline_mode<synchronous>, transform_indices = @transform_8, window_bounds = array<i64: 1, 256>}, {pipeline_mode = #tpu.pipeline_mode<synchronous>, transform_indices = @transform_9, window_bounds = array<i64: 256, 1>}, {pipeline_mode = #tpu.pipeline_mode<synchronous>, transform_indices = @transform_10, window_bounds = array<i64: 1, 1>}, {transform_indices = @transform_11, window_bounds = array<i64: 1, 512, 1>}]} {
    %get3A = arith.constant 0 : index
    %get3A_0 = arith.constant 0 : index
    %get3A_1 = arith.constant 0 : index
    %get3A_2 = vector.load %arg1[%get3A, %get3A_0, %get3A_1] : memref<1x512x256xf32, #tpu.memory_space<vmem>>, vector<1x512x256xf32>
    %get3A_3 = vector.shape_cast %get3A_2 : vector<1x512x256xf32> to vector<512x256xf32>
    %jit3A = arith.constant 0 : i32
    %convert_element_type3A = arith.sitofp %jit3A : i32 to f32
    %pad3A = vector.broadcast %convert_element_type3A : f32 to vector<4x256xf32>
    %pad3A_4 = tpu.concatenate %pad3A, %get3A_3 in 0 : vector<4x256xf32>, vector<512x256xf32> -> vector<516x256xf32>
    %pad3A_5 = vector.broadcast %convert_element_type3A : f32 to vector<4x256xf32>
    %pad3A_6 = tpu.concatenate %pad3A_4, %pad3A_5 in 0 : vector<516x256xf32>, vector<4x256xf32> -> vector<520x256xf32>
    %get3A_7 = arith.constant 0 : index
    %get3A_8 = arith.constant 0 : index
    %get3A_9 = vector.load %arg3[%get3A_7, %get3A_8] : memref<1x256xf32, #tpu.memory_space<vmem>>, vector<1x256xf32>
    %broadcast_in_dim3A = vector.shape_cast %get3A_9 : vector<1x256xf32> to vector<1x256xf32>
    %broadcast_in_dim3A_10 = vector.broadcast %broadcast_in_dim3A : vector<1x256xf32> to vector<512x256xf32>
    %slice3A = vector.extract_strided_slice %pad3A_6 {offsets = [0, 0], sizes = [512, 256], strides = [1, 1]} : vector<520x256xf32> to vector<512x256xf32>
    %get3A_11 = arith.constant 0 : index
    %get3A_12 = arith.constant 0 : index
    %get3A_13 = arith.constant 0 : index
    %get3A_14 = vector.load %arg2[%get3A_11, %get3A_12, %get3A_13] : memref<9x256x256xf32, #tpu.memory_space<vmem>>, vector<1x256x256xf32>
    %get3A_15 = vector.shape_cast %get3A_14 : vector<1x256x256xf32> to vector<256x256xf32>
    %dot_general3A = arith.constant dense<0.000000e+00> : vector<512x256xf32>
    %dot_general3A_16 = tpu.matmul %slice3A, %get3A_15, %dot_general3A {dimension_numbers = #tpu.dot_dimension_numbers<[1], [0], [0], [1], [0, 0, 1, 1], [], []>, transpose_lhs_hint = false} : vector<512x256xf32>, vector<256x256xf32>, vector<512x256xf32> -> vector<512x256xf32>
    %add3A = arith.addf %broadcast_in_dim3A_10, %dot_general3A_16 : vector<512x256xf32>
    %slice3A_17 = vector.extract_strided_slice %pad3A_6 {offsets = [1, 0], sizes = [512, 256], strides = [1, 1]} : vector<520x256xf32> to vector<512x256xf32>
    %get3A_18 = arith.constant 1 : index
    %get3A_19 = arith.constant 0 : index
    %get3A_20 = arith.constant 0 : index
    %get3A_21 = vector.load %arg2[%get3A_18, %get3A_19, %get3A_20] : memref<9x256x256xf32, #tpu.memory_space<vmem>>, vector<1x256x256xf32>
    %get3A_22 = vector.shape_cast %get3A_21 : vector<1x256x256xf32> to vector<256x256xf32>
    %dot_general3A_23 = arith.constant dense<0.000000e+00> : vector<512x256xf32>
    %dot_general3A_24 = tpu.matmul %slice3A_17, %get3A_22, %dot_general3A_23 {dimension_numbers = #tpu.dot_dimension_numbers<[1], [0], [0], [1], [0, 0, 1, 1], [], []>, transpose_lhs_hint = false} : vector<512x256xf32>, vector<256x256xf32>, vector<512x256xf32> -> vector<512x256xf32>
    %add3A_25 = arith.addf %add3A, %dot_general3A_24 : vector<512x256xf32>
    %slice3A_26 = vector.extract_strided_slice %pad3A_6 {offsets = [2, 0], sizes = [512, 256], strides = [1, 1]} : vector<520x256xf32> to vector<512x256xf32>
    %get3A_27 = arith.constant 2 : index
    %get3A_28 = arith.constant 0 : index
    %get3A_29 = arith.constant 0 : index
    %get3A_30 = vector.load %arg2[%get3A_27, %get3A_28, %get3A_29] : memref<9x256x256xf32, #tpu.memory_space<vmem>>, vector<1x256x256xf32>
    %get3A_31 = vector.shape_cast %get3A_30 : vector<1x256x256xf32> to vector<256x256xf32>
    %dot_general3A_32 = arith.constant dense<0.000000e+00> : vector<512x256xf32>
    %dot_general3A_33 = tpu.matmul %slice3A_26, %get3A_31, %dot_general3A_32 {dimension_numbers = #tpu.dot_dimension_numbers<[1], [0], [0], [1], [0, 0, 1, 1], [], []>, transpose_lhs_hint = false} : vector<512x256xf32>, vector<256x256xf32>, vector<512x256xf32> -> vector<512x256xf32>
    %add3A_34 = arith.addf %add3A_25, %dot_general3A_33 : vector<512x256xf32>
    %slice3A_35 = vector.extract_strided_slice %pad3A_6 {offsets = [3, 0], sizes = [512, 256], strides = [1, 1]} : vector<520x256xf32> to vector<512x256xf32>
    %get3A_36 = arith.constant 3 : index
    %get3A_37 = arith.constant 0 : index
    %get3A_38 = arith.constant 0 : index
    %get3A_39 = vector.load %arg2[%get3A_36, %get3A_37, %get3A_38] : memref<9x256x256xf32, #tpu.memory_space<vmem>>, vector<1x256x256xf32>
    %get3A_40 = vector.shape_cast %get3A_39 : vector<1x256x256xf32> to vector<256x256xf32>
    %dot_general3A_41 = arith.constant dense<0.000000e+00> : vector<512x256xf32>
    %dot_general3A_42 = tpu.matmul %slice3A_35, %get3A_40, %dot_general3A_41 {dimension_numbers = #tpu.dot_dimension_numbers<[1], [0], [0], [1], [0, 0, 1, 1], [], []>, transpose_lhs_hint = false} : vector<512x256xf32>, vector<256x256xf32>, vector<512x256xf32> -> vector<512x256xf32>
    %add3A_43 = arith.addf %add3A_34, %dot_general3A_42 : vector<512x256xf32>
    %slice3A_44 = vector.extract_strided_slice %pad3A_6 {offsets = [4, 0], sizes = [512, 256], strides = [1, 1]} : vector<520x256xf32> to vector<512x256xf32>
    %get3A_45 = arith.constant 4 : index
    %get3A_46 = arith.constant 0 : index
    %get3A_47 = arith.constant 0 : index
    %get3A_48 = vector.load %arg2[%get3A_45, %get3A_46, %get3A_47] : memref<9x256x256xf32, #tpu.memory_space<vmem>>, vector<1x256x256xf32>
    %get3A_49 = vector.shape_cast %get3A_48 : vector<1x256x256xf32> to vector<256x256xf32>
    %dot_general3A_50 = arith.constant dense<0.000000e+00> : vector<512x256xf32>
    %dot_general3A_51 = tpu.matmul %slice3A_44, %get3A_49, %dot_general3A_50 {dimension_numbers = #tpu.dot_dimension_numbers<[1], [0], [0], [1], [0, 0, 1, 1], [], []>, transpose_lhs_hint = false} : vector<512x256xf32>, vector<256x256xf32>, vector<512x256xf32> -> vector<512x256xf32>
    %add3A_52 = arith.addf %add3A_43, %dot_general3A_51 : vector<512x256xf32>
    %slice3A_53 = vector.extract_strided_slice %pad3A_6 {offsets = [5, 0], sizes = [512, 256], strides = [1, 1]} : vector<520x256xf32> to vector<512x256xf32>
    %get3A_54 = arith.constant 5 : index
    %get3A_55 = arith.constant 0 : index
    %get3A_56 = arith.constant 0 : index
    %get3A_57 = vector.load %arg2[%get3A_54, %get3A_55, %get3A_56] : memref<9x256x256xf32, #tpu.memory_space<vmem>>, vector<1x256x256xf32>
    %get3A_58 = vector.shape_cast %get3A_57 : vector<1x256x256xf32> to vector<256x256xf32>
    %dot_general3A_59 = arith.constant dense<0.000000e+00> : vector<512x256xf32>
    %dot_general3A_60 = tpu.matmul %slice3A_53, %get3A_58, %dot_general3A_59 {dimension_numbers = #tpu.dot_dimension_numbers<[1], [0], [0], [1], [0, 0, 1, 1], [], []>, transpose_lhs_hint = false} : vector<512x256xf32>, vector<256x256xf32>, vector<512x256xf32> -> vector<512x256xf32>
    %add3A_61 = arith.addf %add3A_52, %dot_general3A_60 : vector<512x256xf32>
    %slice3A_62 = vector.extract_strided_slice %pad3A_6 {offsets = [6, 0], sizes = [512, 256], strides = [1, 1]} : vector<520x256xf32> to vector<512x256xf32>
    %get3A_63 = arith.constant 6 : index
    %get3A_64 = arith.constant 0 : index
    %get3A_65 = arith.constant 0 : index
    %get3A_66 = vector.load %arg2[%get3A_63, %get3A_64, %get3A_65] : memref<9x256x256xf32, #tpu.memory_space<vmem>>, vector<1x256x256xf32>
    %get3A_67 = vector.shape_cast %get3A_66 : vector<1x256x256xf32> to vector<256x256xf32>
    %dot_general3A_68 = arith.constant dense<0.000000e+00> : vector<512x256xf32>
    %dot_general3A_69 = tpu.matmul %slice3A_62, %get3A_67, %dot_general3A_68 {dimension_numbers = #tpu.dot_dimension_numbers<[1], [0], [0], [1], [0, 0, 1, 1], [], []>, transpose_lhs_hint = false} : vector<512x256xf32>, vector<256x256xf32>, vector<512x256xf32> -> vector<512x256xf32>
    %add3A_70 = arith.addf %add3A_61, %dot_general3A_69 : vector<512x256xf32>
    %slice3A_71 = vector.extract_strided_slice %pad3A_6 {offsets = [7, 0], sizes = [512, 256], strides = [1, 1]} : vector<520x256xf32> to vector<512x256xf32>
    %get3A_72 = arith.constant 7 : index
    %get3A_73 = arith.constant 0 : index
    %get3A_74 = arith.constant 0 : index
    %get3A_75 = vector.load %arg2[%get3A_72, %get3A_73, %get3A_74] : memref<9x256x256xf32, #tpu.memory_space<vmem>>, vector<1x256x256xf32>
    %get3A_76 = vector.shape_cast %get3A_75 : vector<1x256x256xf32> to vector<256x256xf32>
    %dot_general3A_77 = arith.constant dense<0.000000e+00> : vector<512x256xf32>
    %dot_general3A_78 = tpu.matmul %slice3A_71, %get3A_76, %dot_general3A_77 {dimension_numbers = #tpu.dot_dimension_numbers<[1], [0], [0], [1], [0, 0, 1, 1], [], []>, transpose_lhs_hint = false} : vector<512x256xf32>, vector<256x256xf32>, vector<512x256xf32> -> vector<512x256xf32>
    %add3A_79 = arith.addf %add3A_70, %dot_general3A_78 : vector<512x256xf32>
    %slice3A_80 = vector.extract_strided_slice %pad3A_6 {offsets = [8, 0], sizes = [512, 256], strides = [1, 1]} : vector<520x256xf32> to vector<512x256xf32>
    %get3A_81 = arith.constant 8 : index
    %get3A_82 = arith.constant 0 : index
    %get3A_83 = arith.constant 0 : index
    %get3A_84 = vector.load %arg2[%get3A_81, %get3A_82, %get3A_83] : memref<9x256x256xf32, #tpu.memory_space<vmem>>, vector<1x256x256xf32>
    %get3A_85 = vector.shape_cast %get3A_84 : vector<1x256x256xf32> to vector<256x256xf32>
    %dot_general3A_86 = arith.constant dense<0.000000e+00> : vector<512x256xf32>
    %dot_general3A_87 = tpu.matmul %slice3A_80, %get3A_85, %dot_general3A_86 {dimension_numbers = #tpu.dot_dimension_numbers<[1], [0], [0], [1], [0, 0, 1, 1], [], []>, transpose_lhs_hint = false} : vector<512x256xf32>, vector<256x256xf32>, vector<512x256xf32> -> vector<512x256xf32>
    %add3A_88 = arith.addf %add3A_79, %dot_general3A_87 : vector<512x256xf32>
    %max3A = arith.constant 0.000000e+00 : f32
    %max3A_89 = vector.broadcast %max3A : f32 to vector<512x256xf32>
    %max3A_90 = arith.maximumf %add3A_88, %max3A_89 : vector<512x256xf32>
    %add3A_91 = arith.addf %max3A_90, %get3A_3 : vector<512x256xf32>
    %reduce_sum3A = arith.constant dense<0.000000e+00> : vector<512xf32>
    %reduce_sum3A_92 = vector.multi_reduction <add>, %add3A_91, %reduce_sum3A [1] : vector<512x256xf32> to vector<512xf32>
    %broadcast_in_dim3A_93 = vector.shape_cast %reduce_sum3A_92 : vector<512xf32> to vector<512x1xf32>
    %div3A = arith.constant 2.560000e+02 : f32
    %div3A_94 = vector.broadcast %div3A : f32 to vector<512x1xf32>
    %div3A_95 = arith.divf %broadcast_in_dim3A_93, %div3A_94 : vector<512x1xf32>
    %sub3A = vector.broadcast %div3A_95 : vector<512x1xf32> to vector<512x256xf32>
    %sub3A_96 = arith.subf %add3A_91, %sub3A : vector<512x256xf32>
    %integer_pow3A = arith.mulf %sub3A_96, %sub3A_96 : vector<512x256xf32>
    %reduce_sum3A_97 = arith.constant dense<0.000000e+00> : vector<512xf32>
    %reduce_sum3A_98 = vector.multi_reduction <add>, %integer_pow3A, %reduce_sum3A_97 [1] : vector<512x256xf32> to vector<512xf32>
    %broadcast_in_dim3A_99 = vector.shape_cast %reduce_sum3A_98 : vector<512xf32> to vector<512x1xf32>
    %div3A_100 = arith.constant 2.560000e+02 : f32
    %div3A_101 = vector.broadcast %div3A_100 : f32 to vector<512x1xf32>
    %div3A_102 = arith.divf %broadcast_in_dim3A_99, %div3A_101 : vector<512x1xf32>
    %sub3A_103 = vector.broadcast %div3A_95 : vector<512x1xf32> to vector<512x256xf32>
    %sub3A_104 = arith.subf %add3A_91, %sub3A_103 : vector<512x256xf32>
    %add3A_105 = arith.constant 9.99999997E-7 : f32
    %add3A_106 = vector.broadcast %add3A_105 : f32 to vector<512x1xf32>
    %add3A_107 = arith.addf %div3A_102, %add3A_106 : vector<512x1xf32>
    %sqrt3A = math.sqrt %add3A_107 : vector<512x1xf32>
    %div3A_108 = vector.broadcast %sqrt3A : vector<512x1xf32> to vector<512x256xf32>
    %div3A_109 = arith.divf %sub3A_104, %div3A_108 : vector<512x256xf32>
    %get3A_110 = arith.constant 0 : index
    %get3A_111 = arith.constant 0 : index
    %get3A_112 = vector.load %arg6[%get3A_110, %get3A_111] : memref<1x256xf32, #tpu.memory_space<vmem>>, vector<1x256xf32>
    %mul3A = vector.broadcast %get3A_112 : vector<1x256xf32> to vector<512x256xf32>
    %mul3A_113 = arith.mulf %div3A_109, %mul3A : vector<512x256xf32>
    %get3A_114 = arith.constant 0 : index
    %get3A_115 = arith.constant 0 : index
    %get3A_116 = vector.load %arg7[%get3A_114, %get3A_115] : memref<1x256xf32, #tpu.memory_space<vmem>>, vector<1x256xf32>
    %add3A_117 = vector.broadcast %get3A_116 : vector<1x256xf32> to vector<512x256xf32>
    %add3A_118 = arith.addf %mul3A_113, %add3A_117 : vector<512x256xf32>
    %jit3A_119 = arith.constant 0 : i32
    %convert_element_type3A_120 = arith.sitofp %jit3A_119 : i32 to f32
    %pad3A_121 = vector.broadcast %convert_element_type3A_120 : f32 to vector<4x256xf32>
    %pad3A_122 = tpu.concatenate %pad3A_121, %add3A_118 in 0 : vector<4x256xf32>, vector<512x256xf32> -> vector<516x256xf32>
    %pad3A_123 = vector.broadcast %convert_element_type3A_120 : f32 to vector<4x256xf32>
    %pad3A_124 = tpu.concatenate %pad3A_122, %pad3A_123 in 0 : vector<516x256xf32>, vector<4x256xf32> -> vector<520x256xf32>
    %get3A_125 = arith.constant 0 : index
    %get3A_126 = arith.constant 0 : index
    %get3A_127 = vector.load %arg5[%get3A_125, %get3A_126] : memref<1x256xf32, #tpu.memory_space<vmem>>, vector<1x256xf32>
    %broadcast_in_dim3A_128 = vector.shape_cast %get3A_127 : vector<1x256xf32> to vector<1x256xf32>
    %broadcast_in_dim3A_129 = vector.broadcast %broadcast_in_dim3A_128 : vector<1x256xf32> to vector<512x256xf32>
    %slice3A_130 = vector.extract_strided_slice %pad3A_124 {offsets = [0, 0], sizes = [512, 256], strides = [1, 1]} : vector<520x256xf32> to vector<512x256xf32>
    %get3A_131 = arith.constant 0 : index
    %get3A_132 = arith.constant 0 : index
    %get3A_133 = arith.constant 0 : index
    %get3A_134 = vector.load %arg4[%get3A_131, %get3A_132, %get3A_133] : memref<9x256x256xf32, #tpu.memory_space<vmem>>, vector<1x256x256xf32>
    %get3A_135 = vector.shape_cast %get3A_134 : vector<1x256x256xf32> to vector<256x256xf32>
    %dot_general3A_136 = arith.constant dense<0.000000e+00> : vector<512x256xf32>
    %dot_general3A_137 = tpu.matmul %slice3A_130, %get3A_135, %dot_general3A_136 {dimension_numbers = #tpu.dot_dimension_numbers<[1], [0], [0], [1], [0, 0, 1, 1], [], []>, transpose_lhs_hint = false} : vector<512x256xf32>, vector<256x256xf32>, vector<512x256xf32> -> vector<512x256xf32>
    %add3A_138 = arith.addf %broadcast_in_dim3A_129, %dot_general3A_137 : vector<512x256xf32>
    %slice3A_139 = vector.extract_strided_slice %pad3A_124 {offsets = [1, 0], sizes = [512, 256], strides = [1, 1]} : vector<520x256xf32> to vector<512x256xf32>
    %get3A_140 = arith.constant 1 : index
    %get3A_141 = arith.constant 0 : index
    %get3A_142 = arith.constant 0 : index
    %get3A_143 = vector.load %arg4[%get3A_140, %get3A_141, %get3A_142] : memref<9x256x256xf32, #tpu.memory_space<vmem>>, vector<1x256x256xf32>
    %get3A_144 = vector.shape_cast %get3A_143 : vector<1x256x256xf32> to vector<256x256xf32>
    %dot_general3A_145 = arith.constant dense<0.000000e+00> : vector<512x256xf32>
    %dot_general3A_146 = tpu.matmul %slice3A_139, %get3A_144, %dot_general3A_145 {dimension_numbers = #tpu.dot_dimension_numbers<[1], [0], [0], [1], [0, 0, 1, 1], [], []>, transpose_lhs_hint = false} : vector<512x256xf32>, vector<256x256xf32>, vector<512x256xf32> -> vector<512x256xf32>
    %add3A_147 = arith.addf %add3A_138, %dot_general3A_146 : vector<512x256xf32>
    %slice3A_148 = vector.extract_strided_slice %pad3A_124 {offsets = [2, 0], sizes = [512, 256], strides = [1, 1]} : vector<520x256xf32> to vector<512x256xf32>
    %get3A_149 = arith.constant 2 : index
    %get3A_150 = arith.constant 0 : index
    %get3A_151 = arith.constant 0 : index
    %get3A_152 = vector.load %arg4[%get3A_149, %get3A_150, %get3A_151] : memref<9x256x256xf32, #tpu.memory_space<vmem>>, vector<1x256x256xf32>
    %get3A_153 = vector.shape_cast %get3A_152 : vector<1x256x256xf32> to vector<256x256xf32>
    %dot_general3A_154 = arith.constant dense<0.000000e+00> : vector<512x256xf32>
    %dot_general3A_155 = tpu.matmul %slice3A_148, %get3A_153, %dot_general3A_154 {dimension_numbers = #tpu.dot_dimension_numbers<[1], [0], [0], [1], [0, 0, 1, 1], [], []>, transpose_lhs_hint = false} : vector<512x256xf32>, vector<256x256xf32>, vector<512x256xf32> -> vector<512x256xf32>
    %add3A_156 = arith.addf %add3A_147, %dot_general3A_155 : vector<512x256xf32>
    %slice3A_157 = vector.extract_strided_slice %pad3A_124 {offsets = [3, 0], sizes = [512, 256], strides = [1, 1]} : vector<520x256xf32> to vector<512x256xf32>
    %get3A_158 = arith.constant 3 : index
    %get3A_159 = arith.constant 0 : index
    %get3A_160 = arith.constant 0 : index
    %get3A_161 = vector.load %arg4[%get3A_158, %get3A_159, %get3A_160] : memref<9x256x256xf32, #tpu.memory_space<vmem>>, vector<1x256x256xf32>
    %get3A_162 = vector.shape_cast %get3A_161 : vector<1x256x256xf32> to vector<256x256xf32>
    %dot_general3A_163 = arith.constant dense<0.000000e+00> : vector<512x256xf32>
    %dot_general3A_164 = tpu.matmul %slice3A_157, %get3A_162, %dot_general3A_163 {dimension_numbers = #tpu.dot_dimension_numbers<[1], [0], [0], [1], [0, 0, 1, 1], [], []>, transpose_lhs_hint = false} : vector<512x256xf32>, vector<256x256xf32>, vector<512x256xf32> -> vector<512x256xf32>
    %add3A_165 = arith.addf %add3A_156, %dot_general3A_164 : vector<512x256xf32>
    %slice3A_166 = vector.extract_strided_slice %pad3A_124 {offsets = [4, 0], sizes = [512, 256], strides = [1, 1]} : vector<520x256xf32> to vector<512x256xf32>
    %get3A_167 = arith.constant 4 : index
    %get3A_168 = arith.constant 0 : index
    %get3A_169 = arith.constant 0 : index
    %get3A_170 = vector.load %arg4[%get3A_167, %get3A_168, %get3A_169] : memref<9x256x256xf32, #tpu.memory_space<vmem>>, vector<1x256x256xf32>
    %get3A_171 = vector.shape_cast %get3A_170 : vector<1x256x256xf32> to vector<256x256xf32>
    %dot_general3A_172 = arith.constant dense<0.000000e+00> : vector<512x256xf32>
    %dot_general3A_173 = tpu.matmul %slice3A_166, %get3A_171, %dot_general3A_172 {dimension_numbers = #tpu.dot_dimension_numbers<[1], [0], [0], [1], [0, 0, 1, 1], [], []>, transpose_lhs_hint = false} : vector<512x256xf32>, vector<256x256xf32>, vector<512x256xf32> -> vector<512x256xf32>
    %add3A_174 = arith.addf %add3A_165, %dot_general3A_173 : vector<512x256xf32>
    %slice3A_175 = vector.extract_strided_slice %pad3A_124 {offsets = [5, 0], sizes = [512, 256], strides = [1, 1]} : vector<520x256xf32> to vector<512x256xf32>
    %get3A_176 = arith.constant 5 : index
    %get3A_177 = arith.constant 0 : index
    %get3A_178 = arith.constant 0 : index
    %get3A_179 = vector.load %arg4[%get3A_176, %get3A_177, %get3A_178] : memref<9x256x256xf32, #tpu.memory_space<vmem>>, vector<1x256x256xf32>
    %get3A_180 = vector.shape_cast %get3A_179 : vector<1x256x256xf32> to vector<256x256xf32>
    %dot_general3A_181 = arith.constant dense<0.000000e+00> : vector<512x256xf32>
    %dot_general3A_182 = tpu.matmul %slice3A_175, %get3A_180, %dot_general3A_181 {dimension_numbers = #tpu.dot_dimension_numbers<[1], [0], [0], [1], [0, 0, 1, 1], [], []>, transpose_lhs_hint = false} : vector<512x256xf32>, vector<256x256xf32>, vector<512x256xf32> -> vector<512x256xf32>
    %add3A_183 = arith.addf %add3A_174, %dot_general3A_182 : vector<512x256xf32>
    %slice3A_184 = vector.extract_strided_slice %pad3A_124 {offsets = [6, 0], sizes = [512, 256], strides = [1, 1]} : vector<520x256xf32> to vector<512x256xf32>
    %get3A_185 = arith.constant 6 : index
    %get3A_186 = arith.constant 0 : index
    %get3A_187 = arith.constant 0 : index
    %get3A_188 = vector.load %arg4[%get3A_185, %get3A_186, %get3A_187] : memref<9x256x256xf32, #tpu.memory_space<vmem>>, vector<1x256x256xf32>
    %get3A_189 = vector.shape_cast %get3A_188 : vector<1x256x256xf32> to vector<256x256xf32>
    %dot_general3A_190 = arith.constant dense<0.000000e+00> : vector<512x256xf32>
    %dot_general3A_191 = tpu.matmul %slice3A_184, %get3A_189, %dot_general3A_190 {dimension_numbers = #tpu.dot_dimension_numbers<[1], [0], [0], [1], [0, 0, 1, 1], [], []>, transpose_lhs_hint = false} : vector<512x256xf32>, vector<256x256xf32>, vector<512x256xf32> -> vector<512x256xf32>
    %add3A_192 = arith.addf %add3A_183, %dot_general3A_191 : vector<512x256xf32>
    %slice3A_193 = vector.extract_strided_slice %pad3A_124 {offsets = [7, 0], sizes = [512, 256], strides = [1, 1]} : vector<520x256xf32> to vector<512x256xf32>
    %get3A_194 = arith.constant 7 : index
    %get3A_195 = arith.constant 0 : index
    %get3A_196 = arith.constant 0 : index
    %get3A_197 = vector.load %arg4[%get3A_194, %get3A_195, %get3A_196] : memref<9x256x256xf32, #tpu.memory_space<vmem>>, vector<1x256x256xf32>
    %get3A_198 = vector.shape_cast %get3A_197 : vector<1x256x256xf32> to vector<256x256xf32>
    %dot_general3A_199 = arith.constant dense<0.000000e+00> : vector<512x256xf32>
    %dot_general3A_200 = tpu.matmul %slice3A_193, %get3A_198, %dot_general3A_199 {dimension_numbers = #tpu.dot_dimension_numbers<[1], [0], [0], [1], [0, 0, 1, 1], [], []>, transpose_lhs_hint = false} : vector<512x256xf32>, vector<256x256xf32>, vector<512x256xf32> -> vector<512x256xf32>
    %add3A_201 = arith.addf %add3A_192, %dot_general3A_200 : vector<512x256xf32>
    %slice3A_202 = vector.extract_strided_slice %pad3A_124 {offsets = [8, 0], sizes = [512, 256], strides = [1, 1]} : vector<520x256xf32> to vector<512x256xf32>
    %get3A_203 = arith.constant 8 : index
    %get3A_204 = arith.constant 0 : index
    %get3A_205 = arith.constant 0 : index
    %get3A_206 = vector.load %arg4[%get3A_203, %get3A_204, %get3A_205] : memref<9x256x256xf32, #tpu.memory_space<vmem>>, vector<1x256x256xf32>
    %get3A_207 = vector.shape_cast %get3A_206 : vector<1x256x256xf32> to vector<256x256xf32>
    %dot_general3A_208 = arith.constant dense<0.000000e+00> : vector<512x256xf32>
    %dot_general3A_209 = tpu.matmul %slice3A_202, %get3A_207, %dot_general3A_208 {dimension_numbers = #tpu.dot_dimension_numbers<[1], [0], [0], [1], [0, 0, 1, 1], [], []>, transpose_lhs_hint = false} : vector<512x256xf32>, vector<256x256xf32>, vector<512x256xf32> -> vector<512x256xf32>
    %add3A_210 = arith.addf %add3A_201, %dot_general3A_209 : vector<512x256xf32>
    %max3A_211 = arith.constant 0.000000e+00 : f32
    %max3A_212 = vector.broadcast %max3A_211 : f32 to vector<512x256xf32>
    %max3A_213 = arith.maximumf %add3A_210, %max3A_212 : vector<512x256xf32>
    %add3A_214 = arith.addf %max3A_213, %add3A_118 : vector<512x256xf32>
    %reduce_sum3A_215 = arith.constant dense<0.000000e+00> : vector<512xf32>
    %reduce_sum3A_216 = vector.multi_reduction <add>, %add3A_214, %reduce_sum3A_215 [1] : vector<512x256xf32> to vector<512xf32>
    %broadcast_in_dim3A_217 = vector.shape_cast %reduce_sum3A_216 : vector<512xf32> to vector<512x1xf32>
    %div3A_218 = arith.constant 2.560000e+02 : f32
    %div3A_219 = vector.broadcast %div3A_218 : f32 to vector<512x1xf32>
    %div3A_220 = arith.divf %broadcast_in_dim3A_217, %div3A_219 : vector<512x1xf32>
    %sub3A_221 = vector.broadcast %div3A_220 : vector<512x1xf32> to vector<512x256xf32>
    %sub3A_222 = arith.subf %add3A_214, %sub3A_221 : vector<512x256xf32>
    %integer_pow3A_223 = arith.mulf %sub3A_222, %sub3A_222 : vector<512x256xf32>
    %reduce_sum3A_224 = arith.constant dense<0.000000e+00> : vector<512xf32>
    %reduce_sum3A_225 = vector.multi_reduction <add>, %integer_pow3A_223, %reduce_sum3A_224 [1] : vector<512x256xf32> to vector<512xf32>
    %broadcast_in_dim3A_226 = vector.shape_cast %reduce_sum3A_225 : vector<512xf32> to vector<512x1xf32>
    %div3A_227 = arith.constant 2.560000e+02 : f32
    %div3A_228 = vector.broadcast %div3A_227 : f32 to vector<512x1xf32>
    %div3A_229 = arith.divf %broadcast_in_dim3A_226, %div3A_228 : vector<512x1xf32>
    %sub3A_230 = vector.broadcast %div3A_220 : vector<512x1xf32> to vector<512x256xf32>
    %sub3A_231 = arith.subf %add3A_214, %sub3A_230 : vector<512x256xf32>
    %add3A_232 = arith.constant 9.99999997E-7 : f32
    %add3A_233 = vector.broadcast %add3A_232 : f32 to vector<512x1xf32>
    %add3A_234 = arith.addf %div3A_229, %add3A_233 : vector<512x1xf32>
    %sqrt3A_235 = math.sqrt %add3A_234 : vector<512x1xf32>
    %div3A_236 = vector.broadcast %sqrt3A_235 : vector<512x1xf32> to vector<512x256xf32>
    %div3A_237 = arith.divf %sub3A_231, %div3A_236 : vector<512x256xf32>
    %get3A_238 = arith.constant 0 : index
    %get3A_239 = arith.constant 0 : index
    %get3A_240 = vector.load %arg8[%get3A_238, %get3A_239] : memref<1x256xf32, #tpu.memory_space<vmem>>, vector<1x256xf32>
    %mul3A_241 = vector.broadcast %get3A_240 : vector<1x256xf32> to vector<512x256xf32>
    %mul3A_242 = arith.mulf %div3A_237, %mul3A_241 : vector<512x256xf32>
    %get3A_243 = arith.constant 0 : index
    %get3A_244 = arith.constant 0 : index
    %get3A_245 = vector.load %arg9[%get3A_243, %get3A_244] : memref<1x256xf32, #tpu.memory_space<vmem>>, vector<1x256xf32>
    %add3A_246 = vector.broadcast %get3A_245 : vector<1x256xf32> to vector<512x256xf32>
    %add3A_247 = arith.addf %mul3A_242, %add3A_246 : vector<512x256xf32>
    %get3A_248 = arith.constant 0 : index
    %get3A_249 = arith.constant 0 : index
    %get3A_250 = vector.load %arg10[%get3A_248, %get3A_249] : memref<256x1xf32, #tpu.memory_space<vmem>>, vector<256x1xf32>
    %dot_general3A_251 = arith.constant dense<0.000000e+00> : vector<512x1xf32>
    %dot_general3A_252 = tpu.matmul %add3A_247, %get3A_250, %dot_general3A_251 {dimension_numbers = #tpu.dot_dimension_numbers<[1], [0], [0], [1], [0, 0, 1, 1], [], []>, transpose_lhs_hint = false} : vector<512x256xf32>, vector<256x1xf32>, vector<512x1xf32> -> vector<512x1xf32>
    %get3A_253 = arith.constant 0 : index
    %get3A_254 = arith.constant 0 : index
    %get3A_255 = vector.load %arg11[%get3A_253, %get3A_254] : memref<1x1xf32, #tpu.memory_space<vmem>>, vector<1x1xf32>
    %add3A_256 = vector.broadcast %get3A_255 : vector<1x1xf32> to vector<512x1xf32>
    %add3A_257 = arith.addf %dot_general3A_252, %add3A_256 : vector<512x1xf32>
    %broadcast_in_dim3A_258 = vector.shape_cast %add3A_257 : vector<512x1xf32> to vector<1x512x1xf32>
    %swap3A = arith.constant 0 : index
    %swap3A_259 = arith.constant 0 : index
    %swap3A_260 = arith.constant 0 : index
    %swap3A_261 = vector.load %arg12[%swap3A, %swap3A_259, %swap3A_260] : memref<1x512x1xf32, #tpu.memory_space<vmem>>, vector<1x512x1xf32>
    tpu.vector_store %arg12[%swap3A, %swap3A_259, %swap3A_260], %broadcast_in_dim3A_258 {strides = array<i32>} : memref<1x512x1xf32, #tpu.memory_space<vmem>>, vector<1x512x1xf32>,
    return
  }
  func.func @transform_0(%arg0: i32) -> (i32, i32, i32) {
    %c0_i32 = arith.constant 0 : i32
    %c0_i32_0 = arith.constant 0 : i32
    %c0_i32_1 = arith.constant 0 : i32
    return %arg0, %c0_i32, %c0_i32_0 : i32, i32, i32
  }
  func.func @transform_1(%arg0: i32) -> (i32, i32, i32) {
    %c0_i32 = arith.constant 0 : i32
    %c0_i32_0 = arith.constant 0 : i32
    %c0_i32_1 = arith.constant 0 : i32
    %c0_i32_2 = arith.constant 0 : i32
    return %c0_i32, %c0_i32_0, %c0_i32_1 : i32, i32, i32
  }
  func.func @transform_2(%arg0: i32) -> (i32, i32) {
    %c0_i32 = arith.constant 0 : i32
    %c0_i32_0 = arith.constant 0 : i32
    %c0_i32_1 = arith.constant 0 : i32
    return %c0_i32, %c0_i32_0 : i32, i32
  }
  func.func @transform_3(%arg0: i32) -> (i32, i32, i32) {
    %c0_i32 = arith.constant 0 : i32
    %c0_i32_0 = arith.constant 0 : i32
    %c0_i32_1 = arith.constant 0 : i32
    %c0_i32_2 = arith.constant 0 : i32
    return %c0_i32, %c0_i32_0, %c0_i32_1 : i32, i32, i32
  }
  func.func @transform_4(%arg0: i32) -> (i32, i32) {
    %c0_i32 = arith.constant 0 : i32
    %c0_i32_0 = arith.constant 0 : i32
    %c0_i32_1 = arith.constant 0 : i32
    return %c0_i32, %c0_i32_0 : i32, i32
  }
  func.func @transform_5(%arg0: i32) -> (i32, i32) {
    %c0_i32 = arith.constant 0 : i32
    %c0_i32_0 = arith.constant 0 : i32
    %c0_i32_1 = arith.constant 0 : i32
    return %c0_i32, %c0_i32_0 : i32, i32
  }
  func.func @transform_6(%arg0: i32) -> (i32, i32) {
    %c0_i32 = arith.constant 0 : i32
    %c0_i32_0 = arith.constant 0 : i32
    %c0_i32_1 = arith.constant 0 : i32
    return %c0_i32, %c0_i32_0 : i32, i32
  }
  func.func @transform_7(%arg0: i32) -> (i32, i32) {
    %c0_i32 = arith.constant 0 : i32
    %c0_i32_0 = arith.constant 0 : i32
    %c0_i32_1 = arith.constant 0 : i32
    return %c0_i32, %c0_i32_0 : i32, i32
  }
  func.func @transform_8(%arg0: i32) -> (i32, i32) {
    %c0_i32 = arith.constant 0 : i32
    %c0_i32_0 = arith.constant 0 : i32
    %c0_i32_1 = arith.constant 0 : i32
    return %c0_i32, %c0_i32_0 : i32, i32
  }
  func.func @transform_9(%arg0: i32) -> (i32, i32) {
    %c0_i32 = arith.constant 0 : i32
    %c0_i32_0 = arith.constant 0 : i32
    %c0_i32_1 = arith.constant 0 : i32
    return %c0_i32, %c0_i32_0 : i32, i32
  }
  func.func @transform_10(%arg0: i32) -> (i32, i32) {
    %c0_i32 = arith.constant 0 : i32
    %c0_i32_0 = arith.constant 0 : i32
    %c0_i32_1 = arith.constant 0 : i32
    return %c0_i32, %c0_i32_0 : i32, i32
  }
  func.func @transform_11(%arg0: i32) -> (i32, i32, i32) {
    %c0_i32 = arith.constant 0 : i32
    %c0_i32_0 = arith.constant 0 : i32
    %c0_i32_1 = arith.constant 0 : i32
    return %arg0, %c0_i32, %c0_i32_0 : i32, i32, i32
  }
}

</mosaic_0001>

<sc_bundles>
// kernel: kernel.4.cloned.1.call-start
scs
__scs_entry_jumppad:
0x0: {  	(pc) =	sbr.rel $0x88, $3  }
0x1: {  	(tag) =	ssettag $0x0;
	lr =	simm.s32 $0x1  }
0x2: {  	[smem:$0x3F95] =	sst lr;
	_ =	strace $0xD0000000  }
0x3: {  	_ = 	snop  }
0x4: {  	_ = 	snop  }
0x5: {  	_ = 	snop  }
0x6: {  	_ = 	snop  }
0x7: {  	_ = 	snop  }
__scs_overlays_trampoline_lowered:
0x8: {  	[smem:$0x3FA4] =	sst s0  }
0x9: {  	[smem:$0x3FA5] =	sst s1  }
0xa: {  	[smem:$0x3FA6] =	sst s2  }
0xb: {  	[smem:$0x3FA7] =	sst s3  }
0xc: {  	[smem:$0x3FA8] =	sst s4  }
0xd: {  	[smem:$0x3FA9] =	sst s5  }
0xe: {  	[smem:$0x3FAA] =	sst s6  }
0xf: {  	[smem:$0x3FAB] =	sst s7  }
0x10: {  	[smem:$0x3FAC] =	sst s8  }
0x11: {  	[smem:$0x3FAD] =	sst s9;
	s0 =	simm.s32 @!p0 $0x0  }
0x12: {  	s1 =	sld [smem:$0x3F93];
	s0 =	simm.s32 @p0 $0x1  }
0x13: {  	[smem:$0x3FAE] =	sst s0;
	s0 =	simm.s32 @!p1 $0x0  }
0x14: {  	s2 =	sld [smem:$0x3F92];
	s0 =	simm.s32 @p1 $0x1  }
0x15: {  	[smem:$0x3FAF] =	sst s0;
	s0 =	simm.s32 @!p2 $0x0  }
0x16: {  	s3 =	sld [smem:$0x3FDB];
	s0 =	simm.s32 @p2 $0x1  }
0x17: {  	s4 =	simm.s32 $0x1BF5;
	[smem:$0x3FB1] =	sst s0  }
0x18: {  	s0 =	sld [smem:$0x3F94];
	_ =	swait.ge [sflag:s4], $0x0  }
0x19: {  	s7 =	sld [smem:$0x3F95]  }
0x1a: {  	s8 =	sadd.s32 $0xFFFFE003, lr  }
0x1b: {  	s9 =	sadd.s32 $0xFFFFFEF7, lr;
	s5 =	simm.s32 $0xFFFFFFFF;
	p2 =	slt.u32 s8, $0xFFFFF086  }
0x1c: {  	p1 =	slt.u32 s9, $0xF7A;
	s5 =	simm.s32 @!p2 $0x0  }
0x1d: {  	s5 =	simm.s32 @p1 $0x1;
	p0 =	seq.s32 s7, s2  }
0x1e: {  	s7 =	smul.u32 @!p0 $0xF7A, s2;
	p2 =	seq.s32 @!p0 s5, $0x0  }
0x1f: {  	s9 =	smul.u32 $0xF7A, s1;
	s8 =	simm.s32 @!p0 $0x1BF5;
	p2 =	por !p2, p0  }
0x20: {  	[sflag:s8] =	ssyncset.s32 @!p0 $0xFFFFF086;
	s6 =	sadd.s32 @!p0 s3, s7;
	s7 =	simm.s32 @!p0 $0x108  }
0x21: {  	s3 =	sadd.s32 s3, s9;
	s6 =	sadd.s32 @!p0 $0x88, s6;
	s7 =	simm.s32 @p2 $0x1082  }
0x22: {  	[simem:s7], [sflag:s8] =	dma.local @!p0 [hbm:s6], $0xF7A  }
0x23: {  	s9 =	sor.u32 $0xD0000000, s2;
	s6 =	simm.s32 $0x108;
	_ =	swait.ge @!p0 [sflag:s8], $0x0  }
0x24: {  	s3 =	sadd.s32 $0x88, s3;
	s6 =	simm.s32 @!p1 $0x1082;
	[sflag:s4] =	ssyncset.s32 $0xFFFFF086  }
0x25: {  	[simem:s6], [sflag:s4] =	dma.local [hbm:s3], $0xF7A  }
0x26: {  	[smem:$0x3F95] =	sst s1;
	(tag) =	ssettag s2;
	_ =	strace s9  }
0x27: {  	s1 =	sld [smem:$0x3FA5]  }
0x28: {  	s2 =	sld [smem:$0x3FA6]  }
0x29: {  	s4 =	sld [smem:$0x3FA8]  }
0x2a: {  	p0 =	seq.s32 s5, $0x0;
	s5 =	sld [smem:$0x3FA9]  }
0x2b: {  	s6 =	sld [smem:$0x3FAA]  }
0x2c: {  	s7 =	sld [smem:$0x3FAB]  }
0x2d: {  	s3 =	simm.s32 $0x108;
	s8 =	sld [smem:$0x3FAC]  }
0x2e: {  	s3 =	simm.s32 @!p0 $0x1082;
	s9 =	sld [smem:$0x3FAD]  }
0x2f: {  	lr =	sadd.s32 s0, s3;
	s0 =	sld [smem:$0x3FA4]  }
0x30: {  	s3 =	sld [smem:$0x3FA7]  }
0x31: {  	[smem:$0x3FB0] =	sst s10  }
0x32: {  	s10 =	sld [smem:$0x3FAE];
	_ =	sdelay $0x3  }
0x33: {  	p0 =	seq.s32 s10, $0x1;
	s10 =	sld [smem:$0x3FB0];
	_ =	sdelay $0x3  }
0x34: {  	[smem:$0x3FB0] =	sst s10  }
0x35: {  	s10 =	sld [smem:$0x3FAF];
	_ =	sdelay $0x3  }
0x36: {  	p1 =	seq.s32 s10, $0x1;
	s10 =	sld [smem:$0x3FB0];
	_ =	sdelay $0x3  }
0x37: {  	[smem:$0x3FB0] =	sst s10  }
0x38: {  	s10 =	sld [smem:$0x3FB1]  }
0x39: {  	_ = 	snop;
	(pc) =	sbr.ind lr, $3  }
0x3a: {  	_ = 	snop  }
0x3b: {  	_ = 	snop  }
0x3c: {  	p2 =	seq.s32 s10, $0x1;
	s10 =	sld [smem:$0x3FB0]  }
0x3d: {  	_ =	shalt  }
0x3e: {  	_ =	shalt  }
0x3f: {  	_ =	shalt  }
0x40: {  	_ =	shalt  }
0x41: {  	_ =	shalt  }
0x42: {  	_ =	shalt  }
0x43: {  	_ =	shalt  }
0x44: {  	_ =	shalt  }
0x45: {  	_ =	shalt  }
0x46: {  	_ =	shalt  }
0x47: {  	_ =	shalt  }
0x48: {  	_ =	shalt  }
0x49: {  	_ =	shalt  }
0x4a: {  	_ =	shalt  }
0x4b: {  	_ =	shalt  }
0x4c: {  	_ =	shalt  }
0x4d: {  	_ =	shalt  }
0x4e: {  	_ =	shalt  }
0x4f: {  	_ =	shalt  }
0x50: {  	_ =	shalt  }
0x51: {  	_ =	shalt  }
0x52: {  	_ =	shalt  }
0x53: {  	_ =	shalt  }
0x54: {  	_ =	shalt  }
0x55: {  	_ =	shalt  }
0x56: {  	_ =	shalt  }
0x57: {  	_ =	shalt  }
0x58: {  	_ =	shalt  }
0x59: {  	_ =	shalt  }
0x5a: {  	_ =	shalt  }
0x5b: {  	_ =	shalt  }
0x5c: {  	_ =	shalt  }
0x5d: {  	_ =	shalt  }
0x5e: {  	_ =	shalt  }
0x5f: {  	_ =	shalt  }
0x60: {  	_ =	shalt  }
0x61: {  	_ =	shalt  }
0x62: {  	_ =	shalt  }
0x63: {  	_ =	shalt  }
0x64: {  	_ =	shalt  }
0x65: {  	_ =	shalt  }
0x66: {  	_ =	shalt  }
0x67: {  	_ =	shalt  }
0x68: {  	_ =	shalt  }
0x69: {  	_ =	shalt  }
0x6a: {  	_ =	shalt  }
0x6b: {  	_ =	shalt  }
0x6c: {  	_ =	shalt  }
0x6d: {  	_ =	shalt  }
0x6e: {  	_ =	shalt  }
0x6f: {  	_ =	shalt  }
0x70: {  	_ =	shalt  }
0x71: {  	_ =	shalt  }
0x72: {  	_ =	shalt  }
0x73: {  	_ =	shalt  }
0x74: {  	_ =	shalt  }
0x75: {  	_ =	shalt  }
0x76: {  	_ =	shalt  }
0x77: {  	_ =	shalt  }
0x78: {  	_ =	shalt  }
0x79: {  	_ =	shalt  }
0x7a: {  	_ =	shalt  }
0x7b: {  	_ =	shalt  }
0x7c: {  	_ =	shalt  }
0x7d: {  	_ =	shalt  }
0x7e: {  	_ =	shalt  }
0x7f: {  	_ =	shalt  }
0x80: {  	_ =	shalt  }
0x81: {  	_ =	shalt  }
0x82: {  	_ =	shalt  }
0x83: {  	_ =	shalt  }
0x84: {  	_ =	shalt  }
0x85: {  	_ =	shalt  }
0x86: {  	_ =	shalt  }
0x87: {  	_ =	shalt  }
.Lfunc_end0:
.L_simem_size_0:
called_computation_lowered:
.L_overlay_start_0:
0x88: {  	s2 =	sld [smem:$0x3FD9]  }
0x89: {  	s3 =	sld [smem:$0x3FFE];
	_ =	sdelay $0x1  }
0x8a: {  	s1 =	srdreg.scid  }
0x8b: {  	s0 =	sand.u32 $0x1, s1  }
0x8c: {  	s14 =	sshll.u32 s0, $0xA;
	s2 =	sadd.s32 s3, s2  }
0x8d: {  	s2 =	sadd.s32 s2, s14  }
0x8e: {  	[smem:$0x3FBC] =	sst s2  }
0x8f: {  	_ = 	snop  }
0x90: {  	s2 =	sld [smem:$0x3FD0];
	_ =	sdelay $0x1  }
0x91: {  	s15 =	sld [smem:$0x3FC9]  }
0x92: {  	s5 =	simm.s32 $0xA;
	s6 =	simm.s32 $0x10;
	s4 =	sld [smem:$0x3FC8]  }
0x93: {  	[smem:s6], [sflag:s5] =	dma.local [hbm:s2], $0x1  }
0x94: {  	_ =	swait.eq [sflag:s5], $0x1  }
0x95: {  	[sflag:s5] =	ssyncset.done $0x0  }
0x96: {  	[sflag:s5] =	ssyncadd.s32 $0xFFFFFFFF  }
0x97: {  	s16 =	sld [smem:$0x10];
	(tm) =	ssettm $0x1  }
0x98: {  	s17 =	sld [smem:$0x3FFB];
	_ =	sdelay $0x3  }
0x99: {  	_ =	strace s17  }
0x9a: {  	s5 =	sld [smem:$0x3FFC];
	_ =	sdelay $0x3  }
0x9b: {  	_ =	strace s5  }
0x9c: {  	s5 =	sld [smem:$0x3FFD];
	_ =	sdelay $0x3  }
0x9d: {  	_ =	strace s5  }
0x9e: {  	_ =	strace $0x8FFFFFFF  }
0x9f: {  	s18 =	sld [smem:$0x3FDB];
	_ =	sdelay $0x1  }
0xa0: {  	s19 =	simm.s32 $_scs_section_size  }
0xa1: {  	s7 =	simm.s32 $_size__tile_overlayer_lowered;
	s8 =	simm.s32 $_tile_overlayer_lowered  }
0xa2: {  	s22 =	simm.s32 $0x1BFF;
	s21 =	sshll.u32 s8, $0x1;
	s5 =	sadd.s32 s19, s18  }
0xa3: {  	s9 =	simm.s32 $0x0;
	s20 =	sshll.u32 s7, $0x1;
	s7 =	sadd.s32 s21, s5  }
0xa4: {  	[timem:s9], [sflag:s22] =	dma.local [hbm:s7], s20  }
0xa5: {  	_ =	swait.ge [sflag:s22], s20  }
0xa6: {  	s6 =	ssub.s32 $0x0, s20;
	[sflag:s22] =	ssyncset.done $0x0  }
0xa7: {  	[sflag:s22] =	ssyncadd.s32 s6;
	_ =	sdelay $0x1  }
0xa8: {  	s23 =	simm.s32 $0x1B8B  }
0xa9: {  	_ =	swait.ge [sflag:s23], $0x1  }
0xaa: {  	[sflag:s23] =	ssyncset.done $0x0  }
0xab: {  	s25 =	simm.s32 $0x1B8E;
	s24 =	sld [smem:$0x3FFE];
	[sflag:s23] =	ssyncadd.s32 $0xFFFFFFFF  }
0xac: {  	s26 =	simm.s32 $execute0_lowered;
	[smem:$0x3FD2] =	sst s25  }
0xad: {  	s7 =	sshll.u32 s26, $0x1;
	_ =	strace $0x80000046;
	[dreg:$0x1] =	wrdreg $0xFFFFFFFF  }
0xae: {  	s28 =	simm.s32 $_size_execute0_lowered;
	s5 =	sadd.s32 s5, s7;
	[dreg:$0x0] =	wrdreg $0x0  }
0xaf: {  	s7 =	sshll.u32 s28, $0x1;
	[dreg:$0x2] =	wrdreg s5  }
0xb0: {  	[dreg:$0x3] =	wrdreg s7  }
0xb1: {  	[dreg:$0x4] =	wrdreg $0xC0  }
0xb2: {  	_ =	task [dreg:s9], $0x5FFFF  }
0xb3: {  	[dreg:$0x1] =	wrdreg $0xFFFFFFFF  }
0xb4: {  	[dreg:$0x0] =	wrdreg $0x60  }
0xb5: {  	[dreg:$0x2] =	wrdreg s15  }
0xb6: {  	[dreg:$0x3] =	wrdreg s4  }
0xb7: {  	[dreg:$0x4] =	wrdreg s16  }
0xb8: {  	[dreg:$0x5] =	wrdreg s24  }
0xb9: {  	[dreg:$0x6] =	wrdreg $0x9  }
0xba: {  	_ =	task.clear_ibuf [dreg:s9], $0x7FFFF;
	_ =	strace $0x90000046  }
0xbb: {  	s29 =	simm.s32 $0x9;
	_ =	strace $0x80000048  }
0xbc: {  	_ =	swait.ge [sflag:s29], $0x1  }
0xbd: {  	[sflag:s29] =	ssyncadd.s32 $0xFFFFFFFF  }
0xbe: {  	_ =	strace $0x90000048  }
0xbf: {  	_ =	sfence  }
0xc0: {  	s30 =	sld [smem:$0x0];
	_ =	sdelay $0x2  }
0xc1: {  	s31 =	sshll.u32 s1, $0xD;
	s1 =	sshrl.u32 s1, $0x2  }
0xc2: {  	s3 =	sand.u32 $0x4000, s31;
	s1 =	sadd.s32 s1, s30  }
0xc3: {  	s0 =	sor.u32 s3, s0;
	s1 =	sshll.u32 s1, $0x11  }
0xc4: {  	s0 =	sor.u32 s1, s0  }
0xc5: {  	s0 =	sadd.s32 $0x8F2B, s0  }
0xc6: {  	[sflag:s0] =	ssyncadd.remote.s32 $0x1  }
0xc7: {  	_ =	sfence.sel $0xFFFF  }
0xc8: {  	[dreg:$0x0] =	wrdreg $0xFFFFFFFF;
	(pc) =	sbr.abs _section_cstart, $3  }
0xc9: {  	[dreg:$0x1] =	wrdreg $0xFFFFFFFF  }
0xca: {  	_ =	task.clear_ibuf [dreg:s9], $0x2FFFF;
	_ =	strace $0x9FFFFFFF  }
0xcb: {  	(tm) =	ssettm $0x7FFFFFFF  }
tec
execute0_lowered:
.L_overlay_start_1:
0x0: {  	(tag) =	ssettag $0x1  }
0x1: {  	s0 =	rddreg [dreg:$0x0];
	s10 =	stileid.u32  }
0x2: {  	s3 =	rddreg [dreg:$0x2];
	s1 =	srdreg.scid  }
0x3: {  	s5 =	rddreg [dreg:$0x3];
	s4 =	simm.s32 $0x0;
	s14 =	simm.s32 $0x2  }
0x4: {  	s13 =	simm.s32 $0x1000;
	s15 =	simm.s32 $0x1600;
	s16 =	simm.s32 $0x1E00  }
0x5: {  	s17 =	simm.s32 $0x2600;
	s18 =	simm.s32 $0x2E00;
	s19 =	simm.s32 $0x3600  }
0x6: {  	s20 =	simm.s32 $0x3E00;
	s21 =	simm.s32 $0x4600;
	s28 =	simm.s32 $0x7600  }
0x7: {  	s29 =	simm.s32 $0x7E00;
	s30 =	simm.s32 $0x8600;
	s31 =	simm.s32 $0x8E00  }
0x8: {  	s2 =	sshll.u32 s10, $0x1;
	s1 =	sand.u32 $0x1, s1;
	s8 =	sshrl.u32 s10, $0x1  }
0x9: {  	[smem:$0x7FF] =	sst s4;
	s25 =	sand.u32 $0x1, s10;
	s2 =	sand.u32 $0x2, s2  }
0xa: {  	s22 =	sshll.u32 s8, $0xB;
	s23 =	ssub.s32 $0x2, s1;
	_ =	strace $0x80000047  }
0xb: {  	s24 =	sshll.u32 s8, $0xE;
	s26 =	sshll.u32 s25, $0xA;
	s25 =	simm.s32 $0x6600  }
0xc: {  	s2 =	sor.u32 s1, s2;
	s9 =	sshrl.u32 s23, $0x1;
	s1 =	sshll.u32 s1, $0x9  }
0xd: {  	s11 =	sshll.u32 s2, $0x9;
	s2 =	ssub.s32 s23, s9;
	s9 =	sadd.s32 s0, s24  }
0xe: {  	s0 =	sor.u32 s1, s26;
	s23 =	simm.s32 $0x5600;
	s24 =	simm.s32 $0x5E00  }
.Ltmp0:
0xf: {  	s26 =	simm.s32 $0x6E00;
	s6 =	sor.u32 s22, s11;
	(pc) =	sbr.rel .LBB2_1-.Ltmp0, $4  }
0x10: {  	v1 =	vimm.s32 $0x0;
	s1 =	simm.s32 $0x0;
	[dreg:$0x8] =	wrdreg s0;
	s7 =	sshrl.u32 s6, $0x3  }
0x11: {  	v2 =	vimm.s32 $0x1;
	v3 =	vlaneseq.u32;
	v4 =	vimm.f32 $0.0e+00;
	s2 =	smax.u32 s2, $0x1;
	[dreg:$0x5] =	wrdreg s11;
	s5 =	sadd.s32 s7, s5  }
0x12: {  	vm0 =	vmmov $0xffff;
	v5 =	vand.u32 $0x7, v3;
	v6 =	vshrl.u32 v3, $0x3;
	s22 =	simm.s32 $0x4E00;
	[dreg:$0x7] =	wrdreg s2;
	s5 =	sadd.s32 $0x1800, s5  }
0x13: {  	v7 =	vor.u32 $0x8, v3;
	v6 =	vmul.u32 $0x8, v6;
	v0 =	vmov s11;
	s2 =	simm.s32 $0x1;
	s7 =	sshll.u32 s8, $0x7;
	[dreg:$0x6] =	wrdreg s5  }
.LBB2_18:
0x14: {  	s1 =	rddreg [dreg:$0x9]  }
0x15: {  	s0 =	rddreg [dreg:$0x7];
	s1 =	sadd.s32 $0x1, s1  }
0x16: {  	p0 =	sne.s32 s1, s0  }
.Ltmp1:
0x17: {  	_ = 	snop;
	(pc) =	sbr.rel @!p0 .LBB2_19-.Ltmp1, $2  }
0x18: {  	_ =	sdelay $0x2  }
0x19: {  	s14 =	simm.s32 $0x2  }
.LBB2_1:
0x1a: {  	[dreg:$0x9] =	wrdreg s1  }
0x1b: {  	s0 =	rddreg [dreg:$0x1]  }
0x1c: {  	[tilespmem:s4], [sflag:$0x2] =	stream.linear.gather [hbm4b:s0+s4], $0x1000, $0x38;
	[tilespmem:$0x11600] =	vst v63  }
0x1d: {  	_ =	swait.ge [sflag:s14], $0x1000  }
0x1e: {  	[sflag:s14] =	ssyncset.done $0x0  }
0x1f: {  	[sflag:s14] =	ssyncadd.s32 $0xFFFFF000  }
0x20: {  	[tilespmem:$0x1000] =	vst v1  }
0x21: {  	[tilespmem:$0x1010] =	vst v1  }
0x22: {  	[tilespmem:$0x1020] =	vst v1  }
0x23: {  	[tilespmem:$0x1030] =	vst v1  }
0x24: {  	[tilespmem:$0x1040] =	vst v1  }
0x25: {  	[tilespmem:$0x1050] =	vst v1  }
0x26: {  	[tilespmem:$0x1060] =	vst v1  }
0x27: {  	[tilespmem:$0x1070] =	vst v1  }
0x28: {  	[tilespmem:$0x1080] =	vst v1  }
0x29: {  	[tilespmem:$0x1090] =	vst v1  }
0x2a: {  	[tilespmem:$0x10A0] =	vst v1  }
0x2b: {  	[tilespmem:$0x10B0] =	vst v1  }
0x2c: {  	[tilespmem:$0x10C0] =	vst v1  }
0x2d: {  	[tilespmem:$0x10D0] =	vst v1  }
0x2e: {  	[tilespmem:$0x10E0] =	vst v1  }
0x2f: {  	[tilespmem:$0x10F0] =	vst v1  }
0x30: {  	[tilespmem:$0x1100] =	vst v1  }
0x31: {  	[tilespmem:$0x1110] =	vst v1  }
0x32: {  	[tilespmem:$0x1120] =	vst v1  }
0x33: {  	[tilespmem:$0x1130] =	vst v1  }
0x34: {  	[tilespmem:$0x1140] =	vst v1  }
0x35: {  	[tilespmem:$0x1150] =	vst v1  }
0x36: {  	[tilespmem:$0x1160] =	vst v1  }
0x37: {  	[tilespmem:$0x1170] =	vst v1  }
0x38: {  	[tilespmem:$0x1180] =	vst v1  }
0x39: {  	[tilespmem:$0x1190] =	vst v1  }
0x3a: {  	[tilespmem:$0x11A0] =	vst v1  }
0x3b: {  	[tilespmem:$0x11B0] =	vst v1  }
0x3c: {  	[tilespmem:$0x11C0] =	vst v1  }
0x3d: {  	s11 =	sand.u32 $0xC00, s4;
	[tilespmem:$0x11D0] =	vst v1  }
0x3e: {  	s12 =	sand.u32 $0x70, s4;
	s0 =	sor.u32 s11, s7;
	[tilespmem:$0x11E0] =	vst v1  }
0x3f: {  	s0 =	sadd.s32 s12, s0;
	[tilespmem:$0x11F0] =	vst v1  }
0x40: {  	v8 =	vld [tilespmem:s0+$0x0];
	_ =	sdelay $0x4  }
0x41: {  	v8 =	vmax.f32 v8, $1.000000000e+00  }
0x42: {  	v8 =	vmin.f32 v8, $6.000000000e+00  }
0x43: {  	v9 =	vtrunc.f32 v8  }
0x44: {  	v9 =	vcvt.f32.s32 v9;
	_ =	sdelay $0x1  }
0x45: {  	v10 =	vcvt.s32.f32 v9;
	_ =	sdelay $0x1  }
0x46: {  	v8 =	vsub.f32 v8, v10  }
0x47: {  	v63 =	vand.u32 $0x1, v9  }
0x48: {  	vm2 =	veq.s32 v63, $0x1;
	vm1 =	veq.f32 v8, $5.000000000e-01  }
0x49: {  	vm3 =	vgt.f32 v8, $5.000000000e-01;
	vm1 =	vmand vm1, vm2  }
0x4a: {  	vm1 =	vmor vm3, vm1  }
0x4b: {  	v8 =	vsel vm1, $0x1, v1  }
0x4c: {  	v8 =	vadd.s32 v9, v8  }
0x4d: {  	(xrf0) =	vadd.scan.msk.s32 $0xffff, v8;
	_ =	sdelay $0x2  }
0x4e: {  	s8 =	simm.s32 $0x0;
	s10 =	simm.s32 $0x0  }
0x4f: {  	s5 =	simm.s32 $0x0;
	s11 =	simm.s32 $0x20;
	s0 =	simm.s32 $0x10  }
.LBB2_2:
0x50: {  	p0 =	seq.s32 s11, $0x1F0  }
0x51: {  	v8, _, _ =	vpop (xrf0)  }
0x52: {  	v9 =	vadd.s32 s8, v8;
	(v2sf) =	vpush v8, $0xF  }
0x53: {  	v8 =	vsub.s32 v9, v0;
	vm1 =	vlt.s32 v9, v0  }
0x54: {  	vm2 =	vlt.u32 v8, $0x200;
	vm3 =	vgt.s32 v8, $0x0;
	v9 =	vsel vm1, $0x1, v1  }
0x55: {  	v8 =	vnsel vm3, $0x0, v8;
	(xrf0) =	vadd.scan.msk.s32 $0xffff, v9  }
0x56: {  	v8 =	vmin.u32 v8, $0x1FF;
	_ =	sdelay $0x1  }
0x57: {  	s10 =	sadd.s32 $0x80, s10  }
0x58: {  	s1 =	sand.u32 $0xC00, s10  }
0x59: {  	s12 =	sand.u32 $0x70, s0;
	s0 =	smov.u32 s11;
	s1 =	sor.u32 s1, s7  }
0x5a: {  	s1 =	sadd.s32 s12, s1;
	[tilespmem:v8+s13+$0x0] =	vst.idx.msk vm2, v2;
	v8, _, _ =	vpop (xrf0)  }
0x5b: {  	v9 =	vld [tilespmem:s1+$0x0];
	(v2sf) =	vpush v8, $0xF;
	_ =	sdelay $0x4  }
0x5c: {  	v8 =	vmax.f32 v9, $1.000000000e+00;
	s1 =	spop (v2sf)  }
0x5d: {  	v8 =	vmin.f32 v8, $6.000000000e+00;
	s8 =	sadd.s32 s8, s1  }
0x5e: {  	v9 =	vtrunc.f32 v8  }
0x5f: {  	v9 =	vcvt.f32.s32 v9;
	_ =	sdelay $0x1  }
0x60: {  	v10 =	vcvt.s32.f32 v9;
	_ =	sdelay $0x1  }
0x61: {  	v8 =	vsub.f32 v8, v10  }
0x62: {  	v10 =	vand.u32 $0x1, v9  }
0x63: {  	vm2 =	veq.s32 v10, $0x1;
	vm1 =	veq.f32 v8, $5.000000000e-01  }
0x64: {  	vm3 =	vgt.f32 v8, $5.000000000e-01;
	vm1 =	vmand vm1, vm2;
	s1 =	spop (v2sf)  }
0x65: {  	vm1 =	vmor vm3, vm1;
	s5 =	sadd.s32 s5, s1  }
0x66: {  	v8 =	vsel vm1, $0x1, v1  }
0x67: {  	v8 =	vadd.s32 v9, v8  }
.Ltmp2:
0x68: {  	(xrf0) =	vadd.scan.msk.s32 $0xffff, v8;
	(pc) =	sbr.rel @!p0 .LBB2_2-.Ltmp2, $2  }
0x69: {  	_ =	sdelay $0x2  }
0x6a: {  	s11 =	sadd.s32 $0x10, s11  }
0x6b: {  	_ = 	snop  }
0x6c: {  	v8, _, _ =	vpop (xrf0)  }
0x6d: {  	v9 =	vadd.s32 s8, v8  }
0x6e: {  	v10 =	vsub.s32 v9, v0  }
0x6f: {  	vm1 =	vgt.s32 v10, $0x0  }
0x70: {  	vm2 =	vlt.u32 v10, $0x200;
	v10 =	vnsel vm1, $0x0, v10  }
0x71: {  	v10 =	vmin.u32 v10, $0x1FF;
	_ =	sdelay $0x1  }
0x72: {  	s1 =	sadd.s32 $0x80, s10  }
0x73: {  	s1 =	sand.u32 $0xC00, s1  }
0x74: {  	s0 =	sand.u32 $0x70, s0;
	s1 =	sor.u32 s1, s7  }
0x75: {  	s0 =	sadd.s32 s0, s1;
	[tilespmem:v10+s13+$0x0] =	vst.idx.msk vm2, v2  }
0x76: {  	v10 =	vld [tilespmem:s0+$0x0];
	_ =	sdelay $0x4  }
0x77: {  	v10 =	vmax.f32 v10, $1.000000000e+00  }
0x78: {  	v10 =	vmin.f32 v10, $6.000000000e+00  }
0x79: {  	v11 =	vtrunc.f32 v10  }
0x7a: {  	v11 =	vcvt.f32.s32 v11  }
0x7b: {  	(v2sf) =	vpush v8, $0xF  }
0x7c: {  	v8 =	vcvt.s32.f32 v11;
	_ =	sdelay $0x1  }
0x7d: {  	v8 =	vsub.f32 v10, v8  }
0x7e: {  	v10 =	vand.u32 $0x1, v11  }
0x7f: {  	vm2 =	veq.s32 v10, $0x1;
	vm1 =	veq.f32 v8, $5.000000000e-01  }
0x80: {  	vm1 =	vmand vm1, vm2;
	vm2 =	vgt.f32 v8, $5.000000000e-01  }
0x81: {  	vm3 =	vlt.s32 v9, v0;
	vm1 =	vmor vm2, vm1  }
0x82: {  	v8 =	vsel vm3, $0x1, v1;
	v9 =	vsel vm1, $0x1, v1  }
0x83: {  	(xrf0) =	vadd.scan.msk.s32 $0xffff, v8;
	v8 =	vadd.s32 v11, v9  }
0x84: {  	(xrf0) =	vadd.scan.msk.s32 $0xffff, v8;
	_ =	sdelay $0x4  }
0x85: {  	s1 =	spop (v2sf);
	v8, _, _ =	vpop (xrf0)  }
0x86: {  	s0 =	sadd.s32 s8, s1;
	v9, _, _ =	vpop (xrf0)  }
0x87: {  	v10 =	vadd.s32 s0, v9  }
0x88: {  	(v2sf) =	vpush v8, $0xF;
	vm1 =	vlt.s32 v10, v0  }
0x89: {  	(v2sf) =	vpush v9, $0xF;
	v11 =	vsel vm1, $0x1, v1  }
0x8a: {  	(xrf0) =	vadd.scan.msk.s32 $0xffff, v11;
	_ =	sdelay $0x5  }
0x8b: {  	v8, _, _ =	vpop (xrf0)  }
0x8c: {  	(v2sf) =	vpush v8, $0xF;
	v8 =	vsub.s32 v10, v0  }
0x8d: {  	vm1 =	vgt.s32 v8, $0x0  }
0x8e: {  	vm2 =	vlt.u32 v8, $0x200;
	v8 =	vnsel vm1, $0x0, v8  }
0x8f: {  	v8 =	vmin.u32 v8, $0x1FF;
	_ =	sdelay $0x2  }
0x90: {  	s10 =	spop (v2sf)  }
0x91: {  	s11 =	spop (v2sf)  }
0x92: {  	s1 =	sadd.s32 s5, s10;
	s5 =	sadd.s32 s0, s11;
	s11 =	simm.s32 $0x0;
	[tilespmem:v8+s13+$0x0] =	vst.idx.msk vm2, v2  }
0x93: {  	v9 =	vld [tilespmem:s11+$0x1000];
	_ =	sdelay $0x4  }
0x94: {  	(xrf0) =	vadd.scan.msk.s32 $0xffff, v9;
	_ =	sdelay $0x4  }
0x95: {  	s12 =	spop (v2sf)  }
0x96: {  	s10 =	sadd.s32 s1, s12;
	v9, _, _ =	vpop (xrf0)  }
0x97: {  	v9 =	vadd.s32 s10, v9  }
0x98: {  	v10 =	vxor.u32 $0x80000000, v9  }
0x99: {  	s12 =	rddreg [dreg:$0x8];
	(xrf0) =	vmax.scan.msk.u32 $0xffff, v10  }
0x9a: {  	v8 =	vmov s5;
	v10 =	vor.u32 s12, v3  }
0x9b: {  	vm1 =	vlt.s32 v10, v8  }
0x9c: {  	v10 =	vsel vm1, $0x3F800000, v4;
	_ =	sdelay $0x2  }
0x9d: {  	[tilespmem:s11+$0x1400] =	vst v10;
	v10, _, _ =	vpop (xrf0)  }
0x9e: {  	(v2sf) =	vpush v10, $0xF  }
0x9f: {  	s0 =	sadd.s32 $0x10, s12  }
0xa0: {  	v11 =	vor.u32 s0, v3;
	vm1 =	vlt.s32 v9, $0x1FF  }
0xa1: {  	v9 =	vnsel vm1, $0x1FF, v9;
	vm1 =	vlt.s32 v11, v8  }
0xa2: {  	s8 =	simm.s32 $0x80;
	s1 =	simm.s32 $0x10;
	[tilespmem:s11+$0x1200] =	vst v9;
	v9 =	vsel vm1, $0x3F800000, v4  }
.LBB2_4:
0xa3: {  	p0 =	sne.s32 s8, $0x7C0;
	v10 =	vld [tilespmem:s1+$0x1000];
	[tilespmem:s1+$0x1400] =	vst v9;
	_ =	sdelay $0x4  }
0xa4: {  	(xrf0) =	vadd.scan.msk.s32 $0xffff, v10;
	_ =	sdelay $0x4  }
0xa5: {  	s10 =	spop (v2sf)  }
0xa6: {  	v9, _, _ =	vpop (xrf0);
	s10 =	sxor.u32 $0x80000000, s10  }
0xa7: {  	v9 =	vadd.s32 s10, v9  }
0xa8: {  	vm1 =	vlt.s32 v9, $0x1FF;
	v10 =	vxor.u32 $0x80000000, v9  }
0xa9: {  	v9 =	vnsel vm1, $0x1FF, v9;
	(xrf0) =	vmax.scan.msk.u32 $0xffff, v10  }
0xaa: {  	[tilespmem:s1+$0x1200] =	vst v9;
	_ =	sdelay $0x4  }
0xab: {  	v9, _, _ =	vpop (xrf0)  }
.Ltmp3:
0xac: {  	(v2sf) =	vpush v9, $0xF;
	(pc) =	sbr.rel @p0 .LBB2_4-.Ltmp3, $4  }
0xad: {  	s0 =	sadd.s32 $0x10, s0  }
0xae: {  	v9 =	vor.u32 s0, v3  }
0xaf: {  	vm1 =	vlt.s32 v9, v8  }
0xb0: {  	s1 =	sshra.s32 s8, $0x2;
	s8 =	sadd.s32 $0x40, s8;
	v9 =	vsel vm1, $0x3F800000, v4  }
0xb1: {  	v8 =	vld [tilespmem:s1+$0x1000];
	_ =	sdelay $0x4  }
0xb2: {  	(xrf0) =	vadd.scan.msk.s32 $0xffff, v8;
	_ =	sdelay $0x4  }
0xb3: {  	s0 =	spop (v2sf)  }
0xb4: {  	v8, _, _ =	vpop (xrf0);
	s0 =	sxor.u32 $0x80000000, s0  }
0xb5: {  	v8 =	vadd.s32 s0, v8  }
0xb6: {  	v10 =	vxor.u32 $0x80000000, v8  }
0xb7: {  	(xrf0) =	vmax.scan.msk.u32 $0xffff, v10;
	_ =	sdelay $0x5  }
0xb8: {  	v10, _, _ =	vpop (xrf0)  }
0xb9: {  	(v2sf) =	vpush v10, $0xF;
	_ =	sdelay $0xa  }
0xba: {  	vm1 =	vlt.s32 v8, $0x1FF  }
0xbb: {  	[tilespmem:s1+$0x1400] =	vst v9;
	v8 =	vnsel vm1, $0x1FF, v8  }
0xbc: {  	s8 =	simm.s32 $0x0;
	s11 =	simm.s32 $0x1400;
	s0 =	rddreg [dreg:$0x6];
	[tilespmem:s1+$0x1200] =	vst v8  }
0xbd: {  	[hbm4b:s0+s8] =	stream.linear.scatter [tilespmem:s11], [sflag:$0x2], $0x200, $0x38;
	[tilespmem:$0x11600] =	vst v63  }
0xbe: {  	s10 =	spop (v2sf)  }
0xbf: {  	_ =	swait.ge [sflag:s14], $0x200  }
0xc0: {  	s12 =	rddreg [dreg:$0x5]  }
0xc1: {  	s0 =	ssub.s32 s5, s12  }
0xc2: {  	p0 =	sgt.s32 s0, $0x1FF  }
.Ltmp4:
0xc3: {  	_ = 	snop;
	(pc) =	sbr.rel @p0 .LBB2_9-.Ltmp4, $3  }
0xc4: {  	_ =	sdelay $0x1  }
0xc5: {  	[sflag:s14] =	ssyncset.done $0x0  }
0xc6: {  	[sflag:s14] =	ssyncadd.s32 $0xFFFFFE00  }
0xc7: {  	s1 =	sand.u32 $0x7800, s8;
	s5 =	sand.u32 $0x380, s8  }
0xc8: {  	s1 =	sor.u32 s5, s1  }
0xc9: {  	[tilespmem:s1+$0x9A70] =	vst v4  }
0xca: {  	[tilespmem:s1+$0x9600] =	vst v4  }
0xcb: {  	[tilespmem:s1+$0x9610] =	vst v4  }
0xcc: {  	[tilespmem:s1+$0x9620] =	vst v4  }
0xcd: {  	[tilespmem:s1+$0x9630] =	vst v4  }
0xce: {  	[tilespmem:s1+$0x9640] =	vst v4  }
0xcf: {  	[tilespmem:s1+$0x9650] =	vst v4  }
0xd0: {  	[tilespmem:s1+$0x9660] =	vst v4  }
0xd1: {  	[tilespmem:s1+$0x9670] =	vst v4  }
0xd2: {  	[tilespmem:s1+$0x9A00] =	vst v4  }
0xd3: {  	[tilespmem:s1+$0x9A10] =	vst v4  }
0xd4: {  	[tilespmem:s1+$0x9A20] =	vst v4  }
0xd5: {  	[tilespmem:s1+$0x9A30] =	vst v4  }
0xd6: {  	s12 =	sadd.s32 $0x100, s8;
	s5 =	sadd.s32 $0x80, s8;
	[tilespmem:s1+$0x9A40] =	vst v4  }
0xd7: {  	s10 =	sand.u32 $0x7800, s12;
	s8 =	sadd.s32 $0x100, s12;
	s11 =	sand.u32 $0x380, s5;
	[tilespmem:s1+$0x9A50] =	vst v4  }
.LBB2_7:
0xd8: {  	p0 =	sne.s32 s8, $0x7F00;
	[tilespmem:s1+$0x9A60] =	vst v4;
	s1 =	sor.u32 s11, s10  }
0xd9: {  	[tilespmem:s1+$0x9A70] =	vst v4  }
0xda: {  	[tilespmem:s1+$0x9600] =	vst v4  }
0xdb: {  	[tilespmem:s1+$0x9610] =	vst v4  }
0xdc: {  	[tilespmem:s1+$0x9620] =	vst v4  }
0xdd: {  	[tilespmem:s1+$0x9630] =	vst v4  }
0xde: {  	[tilespmem:s1+$0x9640] =	vst v4  }
0xdf: {  	[tilespmem:s1+$0x9650] =	vst v4  }
0xe0: {  	[tilespmem:s1+$0x9660] =	vst v4  }
0xe1: {  	[tilespmem:s1+$0x9670] =	vst v4  }
0xe2: {  	[tilespmem:s1+$0x9A00] =	vst v4  }
.Ltmp5:
0xe3: {  	[tilespmem:s1+$0x9A10] =	vst v4;
	(pc) =	sbr.rel @p0 .LBB2_7-.Ltmp5, $4  }
0xe4: {  	[tilespmem:s1+$0x9A20] =	vst v4  }
0xe5: {  	[tilespmem:s1+$0x9A30] =	vst v4  }
0xe6: {  	s5 =	sadd.s32 $0x80, s5;
	[tilespmem:s1+$0x9A40] =	vst v4  }
0xe7: {  	s10 =	sand.u32 $0x7800, s8;
	s8 =	sadd.s32 $0x100, s8;
	s11 =	sand.u32 $0x380, s5;
	[tilespmem:s1+$0x9A50] =	vst v4  }
0xe8: {  	s5 =	sor.u32 s11, s10;
	[tilespmem:s1+$0x9A60] =	vst v4  }
0xe9: {  	[tilespmem:s5+$0x9A70] =	vst v4  }
0xea: {  	[tilespmem:s5+$0x9600] =	vst v4  }
0xeb: {  	[tilespmem:s5+$0x9610] =	vst v4  }
0xec: {  	[tilespmem:s5+$0x9620] =	vst v4  }
0xed: {  	[tilespmem:s5+$0x9630] =	vst v4  }
0xee: {  	[tilespmem:s5+$0x9640] =	vst v4  }
0xef: {  	[tilespmem:s5+$0x9650] =	vst v4  }
0xf0: {  	[tilespmem:s5+$0x9660] =	vst v4  }
0xf1: {  	[tilespmem:s5+$0x9670] =	vst v4  }
0xf2: {  	[tilespmem:s5+$0x9A00] =	vst v4  }
0xf3: {  	[tilespmem:s5+$0x9A10] =	vst v4  }
0xf4: {  	[tilespmem:s5+$0x9A20] =	vst v4  }
0xf5: {  	[tilespmem:s5+$0x9A30] =	vst v4  }
0xf6: {  	[tilespmem:s5+$0x9A40] =	vst v4  }
0xf7: {  	[tilespmem:s5+$0x9A50] =	vst v4  }
0xf8: {  	[tilespmem:s5+$0x9A60] =	vst v4  }
.LBB2_9:
.Ltmp6:
0xf9: {  	(pc) =	sbr.rel .LBB2_10-.Ltmp6, $4  }
0xfa: {  	p0 =	sgt.s32 s0, $0x0  }
0xfb: {  	s0 =	simm.s32 @!p0 $0x0  }
0xfc: {  	s11 =	simm.s32 $0x0;
	s14 =	smin.u32 s0, $0x200  }
0xfd: {  	s8 =	sadd.s32 $0xFFFFFFFF, s14;
	s10 =	sshll.u32 s14, $0x7;
	s5 =	sshll.u32 s14, $0x8  }
.LBB2_14:
0xfe: {  	[tilespmem:s0+$0x1A50] =	vst v4;
	s16 =	simm.s32 $0x1E00  }
0xff: {  	[tilespmem:s0+$0x1A60] =	vst v4;
	s17 =	simm.s32 $0x2600;
	s18 =	simm.s32 $0x2E00;
	s19 =	simm.s32 $0x3600  }
.LBB2_15:
0x100: {  	s0 =	sshll.u32 s12, $0x5  }
0x101: {  	s0 =	sadd.s32 s3, s0  }
0x102: {  	[hbm4b:s0+s4] =	stream.linear.scatter [tilespmem:s15], [sflag:$0x3], $0x8000, $0x38;
	[tilespmem:$0x11600] =	vst v63  }
0x103: {  	s0 =	simm.s32 $0x3  }
.LBB2_17:
0x104: {  	s11 =	sadd.s32 $0x1, s11  }
0x105: {  	p0 =	sne.s32 s11, $0x4  }
.Ltmp7:
0x106: {  	_ = 	snop;
	(pc) =	sbr.rel @!p0 .LBB2_18-.Ltmp7, $4  }
0x107: {  	_ = 	snop  }
0x108: {  	_ =	swait.ge [sflag:s0], $0x8000  }
0x109: {  	s8 =	sadd.s32 $0xFFFFFF80, s8;
	[sflag:s0] =	ssyncset.done $0x0  }
0x10a: {  	s10 =	sadd.s32 $0xFFFFC000, s10;
	s5 =	sadd.s32 $0xFFFF8000, s5;
	[sflag:s0] =	ssyncadd.s32 $0xFFFF8000  }
.LBB2_10:
0x10b: {  	s1 =	sshll.u32 s11, $0x7  }
0x10c: {  	s0 =	ssub.s32 s14, s1  }
0x10d: {  	p0 =	slt.s32 s0, $0x1  }
.Ltmp8:
0x10e: {  	_ = 	snop;
	(pc) =	sbr.rel @p0 .LBB2_16-.Ltmp8, $2  }
0x10f: {  	_ =	sdelay $0x2  }
0x110: {  	s12 =	sor.u32 s6, s1  }
0x111: {  	s1 =	sand.u32 $0x3FFFFF80, s1  }
0x112: {  	v8 =	vld [tilespmem:s1+$0x1200];
	_ =	sdelay $0x4  }
0x113: {  	v9 =	vshll.u32 v8, $0x1  }
0x114: {  	v8 =	vand.u32 $0x7, v8;
	v9 =	vand.u32 $0xFFFFFFF0, v9  }
0x115: {  	v8 =	vor.u32 v8, v9  }
0x116: {  	v9 =	vperm.xlane v8, v5;
	_ =	sdelay $0x1  }
0x117: {  	v8 =	vperm.xlane v8, v7;
	v9 =	vadd.s32 v6, v9;
	_ =	sdelay $0x1  }
0x118: {  	v8 =	vadd.s32 v6, v8;
	_ =	sdelay $0x2  }
0x119: {  	[tilespmem:s15], [sflag:$0x1] =	stream.indirect_vreg.gather [hbm4b:s9+s4], $0x80, v9, vm0, $0xb8;
	[tilespmem:$0x11600] =	vst v63  }
0x11a: {  	_ = 	snop  }
0x11b: {  	[tilespmem:s16], [sflag:$0x1] =	stream.indirect_vreg.gather [hbm4b:s9+s4], $0x80, v8, vm0, $0xb8;
	[tilespmem:$0x11600] =	vst v63  }
0x11c: {  	v8 =	vld [tilespmem:s1+$0x1210];
	_ =	sdelay $0x4  }
0x11d: {  	v57 =	vshll.u32 v8, $0x1  }
0x11e: {  	v8 =	vand.u32 $0x7, v8;
	v9 =	vand.u32 $0xFFFFFFF0, v57  }
0x11f: {  	v8 =	vor.u32 v8, v9  }
0x120: {  	v9 =	vperm.xlane v8, v5;
	_ =	sdelay $0x1  }
0x121: {  	v8 =	vperm.xlane v8, v7;
	v9 =	vadd.s32 v6, v9;
	_ =	sdelay $0x1  }
0x122: {  	v8 =	vadd.s32 v6, v8;
	_ =	sdelay $0x2  }
0x123: {  	[tilespmem:s17], [sflag:$0x1] =	stream.indirect_vreg.gather [hbm4b:s9+s4], $0x80, v9, vm0, $0xb8;
	[tilespmem:$0x11600] =	vst v63  }
0x124: {  	_ = 	snop  }
0x125: {  	[tilespmem:s18], [sflag:$0x1] =	stream.indirect_vreg.gather [hbm4b:s9+s4], $0x80, v8, vm0, $0xb8;
	[tilespmem:$0x11600] =	vst v63  }
0x126: {  	v8 =	vld [tilespmem:s1+$0x1220];
	_ =	sdelay $0x4  }
0x127: {  	v58 =	vshll.u32 v8, $0x1  }
0x128: {  	v8 =	vand.u32 $0x7, v8;
	v9 =	vand.u32 $0xFFFFFFF0, v58  }
0x129: {  	v8 =	vor.u32 v8, v9  }
0x12a: {  	v9 =	vperm.xlane v8, v5;
	_ =	sdelay $0x1  }
0x12b: {  	v8 =	vperm.xlane v8, v7;
	v9 =	vadd.s32 v6, v9;
	_ =	sdelay $0x1  }
0x12c: {  	v8 =	vadd.s32 v6, v8;
	_ =	sdelay $0x2  }
0x12d: {  	[tilespmem:s19], [sflag:$0x1] =	stream.indirect_vreg.gather [hbm4b:s9+s4], $0x80, v9, vm0, $0xb8;
	[tilespmem:$0x11600] =	vst v63  }
0x12e: {  	_ = 	snop  }
0x12f: {  	[tilespmem:s20], [sflag:$0x1] =	stream.indirect_vreg.gather [hbm4b:s9+s4], $0x80, v8, vm0, $0xb8;
	[tilespmem:$0x11600] =	vst v63  }
0x130: {  	v8 =	vld [tilespmem:s1+$0x1230];
	_ =	sdelay $0x4  }
0x131: {  	v59 =	vshll.u32 v8, $0x1  }
0x132: {  	v8 =	vand.u32 $0x7, v8;
	v9 =	vand.u32 $0xFFFFFFF0, v59  }
0x133: {  	v8 =	vor.u32 v8, v9  }
0x134: {  	v9 =	vperm.xlane v8, v5;
	_ =	sdelay $0x1  }
0x135: {  	v8 =	vperm.xlane v8, v7;
	v9 =	vadd.s32 v6, v9;
	_ =	sdelay $0x1  }
0x136: {  	v8 =	vadd.s32 v6, v8;
	_ =	sdelay $0x2  }
0x137: {  	[tilespmem:s21], [sflag:$0x1] =	stream.indirect_vreg.gather [hbm4b:s9+s4], $0x80, v9, vm0, $0xb8;
	[tilespmem:$0x11600] =	vst v63  }
0x138: {  	_ = 	snop  }
0x139: {  	[tilespmem:s22], [sflag:$0x1] =	stream.indirect_vreg.gather [hbm4b:s9+s4], $0x80, v8, vm0, $0xb8;
	[tilespmem:$0x11600] =	vst v63  }
0x13a: {  	v8 =	vld [tilespmem:s1+$0x1240];
	_ =	sdelay $0x4  }
0x13b: {  	v60 =	vshll.u32 v8, $0x1  }
0x13c: {  	v8 =	vand.u32 $0x7, v8;
	v9 =	vand.u32 $0xFFFFFFF0, v60  }
0x13d: {  	v8 =	vor.u32 v8, v9  }
0x13e: {  	v9 =	vperm.xlane v8, v5;
	_ =	sdelay $0x1  }
0x13f: {  	v8 =	vperm.xlane v8, v7;
	v9 =	vadd.s32 v6, v9;
	_ =	sdelay $0x1  }
0x140: {  	v8 =	vadd.s32 v6, v8;
	_ =	sdelay $0x2  }
0x141: {  	[tilespmem:s23], [sflag:$0x1] =	stream.indirect_vreg.gather [hbm4b:s9+s4], $0x80, v9, vm0, $0xb8;
	[tilespmem:$0x11600] =	vst v63  }
0x142: {  	_ = 	snop  }
0x143: {  	[tilespmem:s24], [sflag:$0x1] =	stream.indirect_vreg.gather [hbm4b:s9+s4], $0x80, v8, vm0, $0xb8;
	[tilespmem:$0x11600] =	vst v63  }
0x144: {  	v8 =	vld [tilespmem:s1+$0x1250];
	_ =	sdelay $0x4  }
0x145: {  	v61 =	vshll.u32 v8, $0x1  }
0x146: {  	v8 =	vand.u32 $0x7, v8;
	v9 =	vand.u32 $0xFFFFFFF0, v61  }
0x147: {  	v8 =	vor.u32 v8, v9  }
0x148: {  	v9 =	vperm.xlane v8, v5;
	_ =	sdelay $0x1  }
0x149: {  	v8 =	vperm.xlane v8, v7;
	v9 =	vadd.s32 v6, v9;
	_ =	sdelay $0x1  }
0x14a: {  	v8 =	vadd.s32 v6, v8;
	_ =	sdelay $0x2  }
0x14b: {  	[tilespmem:s25], [sflag:$0x1] =	stream.indirect_vreg.gather [hbm4b:s9+s4], $0x80, v9, vm0, $0xb8;
	[tilespmem:$0x11600] =	vst v63  }
0x14c: {  	_ = 	snop  }
0x14d: {  	[tilespmem:s26], [sflag:$0x1] =	stream.indirect_vreg.gather [hbm4b:s9+s4], $0x80, v8, vm0, $0xb8;
	[tilespmem:$0x11600] =	vst v63  }
0x14e: {  	v8 =	vld [tilespmem:s1+$0x1260];
	_ =	sdelay $0x4  }
0x14f: {  	v62 =	vshll.u32 v8, $0x1  }
0x150: {  	v8 =	vand.u32 $0x7, v8;
	v9 =	vand.u32 $0xFFFFFFF0, v62  }
0x151: {  	v8 =	vor.u32 v8, v9  }
0x152: {  	v9 =	vperm.xlane v8, v5;
	_ =	sdelay $0x1  }
0x153: {  	v8 =	vperm.xlane v8, v7;
	v9 =	vadd.s32 v6, v9;
	_ =	sdelay $0x1  }
0x154: {  	v8 =	vadd.s32 v6, v8;
	_ =	sdelay $0x2  }
0x155: {  	[tilespmem:s28], [sflag:$0x1] =	stream.indirect_vreg.gather [hbm4b:s9+s4], $0x80, v9, vm0, $0xb8;
	[tilespmem:$0x11600] =	vst v63  }
0x156: {  	_ = 	snop  }
0x157: {  	[tilespmem:s29], [sflag:$0x1] =	stream.indirect_vreg.gather [hbm4b:s9+s4], $0x80, v8, vm0, $0xb8;
	[tilespmem:$0x11600] =	vst v63  }
0x158: {  	v8 =	vld [tilespmem:s1+$0x1270];
	_ =	sdelay $0x4  }
0x159: {  	v63 =	vshll.u32 v8, $0x1  }
0x15a: {  	v8 =	vand.u32 $0x7, v8;
	v9 =	vand.u32 $0xFFFFFFF0, v63  }
0x15b: {  	v8 =	vor.u32 v8, v9  }
0x15c: {  	v9 =	vperm.xlane v8, v5;
	_ =	sdelay $0x1  }
0x15d: {  	v8 =	vperm.xlane v8, v7;
	v9 =	vadd.s32 v6, v9;
	_ =	sdelay $0x1  }
0x15e: {  	v8 =	vadd.s32 v6, v8;
	_ =	sdelay $0x1  }
0x15f: {  	p0 =	sgt.u32 s0, $0x7F  }
0x160: {  	[tilespmem:s30], [sflag:$0x1] =	stream.indirect_vreg.gather [hbm4b:s9+s4], $0x80, v9, vm0, $0xb8;
	[tilespmem:$0x11600] =	vst v63  }
.Ltmp9:
0x161: {  	_ = 	snop;
	(pc) =	sbr.rel @p0 .LBB2_15-.Ltmp9, $4  }
0x162: {  	[tilespmem:s31], [sflag:$0x1] =	stream.indirect_vreg.gather [hbm4b:s9+s4], $0x80, v8, vm0, $0xb8;
	[tilespmem:$0x11600] =	vst v63  }
0x163: {  	_ =	swait.ge [sflag:s2], $0x8000  }
0x164: {  	[sflag:s2] =	ssyncset.done $0x0  }
0x165: {  	[sflag:s2] =	ssyncadd.s32 $0xFFFF8000  }
0x166: {  	s0 =	sand.u32 $0xFFFFF800, s5;
	s1 =	sand.u32 $0x380, s10  }
0x167: {  	s0 =	sor.u32 s1, s0  }
0x168: {  	[tilespmem:s0+$0x1A70] =	vst v4  }
0x169: {  	[tilespmem:s0+$0x1600] =	vst v4  }
0x16a: {  	[tilespmem:s0+$0x1610] =	vst v4  }
0x16b: {  	[tilespmem:s0+$0x1620] =	vst v4  }
0x16c: {  	[tilespmem:s0+$0x1630] =	vst v4  }
0x16d: {  	[tilespmem:s0+$0x1640] =	vst v4  }
0x16e: {  	[tilespmem:s0+$0x1650] =	vst v4  }
0x16f: {  	s1 =	sadd.s32 $0x1, s8;
	[tilespmem:s0+$0x1660] =	vst v4  }
0x170: {  	[tilespmem:s0+$0x1670] =	vst v4;
	p0 =	slt.s32 s1, $0x7F  }
.Ltmp10:
0x171: {  	[tilespmem:s0+$0x1A00] =	vst v4;
	(pc) =	sbr.rel @!p0 .LBB2_14-.Ltmp10, $4  }
0x172: {  	[tilespmem:s0+$0x1A10] =	vst v4  }
0x173: {  	[tilespmem:s0+$0x1A20] =	vst v4  }
0x174: {  	[tilespmem:s0+$0x1A30] =	vst v4  }
0x175: {  	s16 =	sadd.s32 $0x80, s10;
	s17 =	sadd.s32 $0x100, s5;
	[tilespmem:s0+$0x1A40] =	vst v4  }
.LBB2_13:
0x176: {  	s18 =	sand.u32 $0xFFFFF800, s17;
	s19 =	sand.u32 $0x380, s16;
	s1 =	sadd.s32 $0x1, s1;
	[tilespmem:s0+$0x1A50] =	vst v4  }
0x177: {  	p0 =	slt.s32 s1, $0x7F;
	[tilespmem:s0+$0x1A60] =	vst v4;
	s0 =	sor.u32 s19, s18  }
0x178: {  	[tilespmem:s0+$0x1A70] =	vst v4  }
0x179: {  	[tilespmem:s0+$0x1600] =	vst v4  }
0x17a: {  	[tilespmem:s0+$0x1610] =	vst v4  }
0x17b: {  	[tilespmem:s0+$0x1620] =	vst v4  }
0x17c: {  	[tilespmem:s0+$0x1630] =	vst v4  }
0x17d: {  	[tilespmem:s0+$0x1640] =	vst v4  }
0x17e: {  	[tilespmem:s0+$0x1650] =	vst v4  }
0x17f: {  	[tilespmem:s0+$0x1660] =	vst v4  }
0x180: {  	[tilespmem:s0+$0x1670] =	vst v4  }
.Ltmp11:
0x181: {  	[tilespmem:s0+$0x1A00] =	vst v4;
	(pc) =	sbr.rel @p0 .LBB2_13-.Ltmp11, $4  }
0x182: {  	[tilespmem:s0+$0x1A10] =	vst v4  }
0x183: {  	[tilespmem:s0+$0x1A20] =	vst v4  }
0x184: {  	[tilespmem:s0+$0x1A30] =	vst v4  }
0x185: {  	s16 =	sadd.s32 $0x80, s16;
	s17 =	sadd.s32 $0x100, s17;
	[tilespmem:s0+$0x1A40] =	vst v4  }
.Ltmp12:
0x186: {  	_ = 	snop;
	(pc) =	sbr.rel .LBB2_14-.Ltmp12, $1  }
0x187: {  	_ =	sdelay $0x3  }
.LBB2_16:
.Ltmp13:
0x188: {  	(pc) =	sbr.rel .LBB2_17-.Ltmp13, $4  }
0x189: {  	s0 =	sshll.u32 s12, $0x5  }
0x18a: {  	s1 =	simm.s32 $0x9600;
	s0 =	sadd.s32 s3, s0  }
0x18b: {  	[hbm4b:s0+s4] =	stream.linear.scatter [tilespmem:s1], [sflag:$0x2], $0x8000, $0x38;
	[tilespmem:$0x11600] =	vst v63  }
0x18c: {  	s0 =	simm.s32 $0x2  }
.LBB2_19:
0x18d: {  	_ =	sfence.sel $0x180000  }
0x18e: {  	[bflag:$0x0] =	sbarrier.arrive $0xFFFF  }
0x18f: {  	_ =	strace $0x90000047  }
0x190: {  	s0 =	stileid.u32;
	[bflag:$0x2] =	sbarrier.arrive $0xFFFF  }
0x191: {  	p0 =	sne.s32 s0, $0x0;
	s0 =	rddreg [dreg:$0x4]  }
0x192: {  	s0 =	sadd.s32 @!p0 $0x100000, s0  }
0x193: {  	[sflag:s0] =	ssyncadd.tile.s32 @!p0 $0x1;
	_ =	shalt  }
.Lfunc_end2:
_tile_overlayer_lowered:
.L_overlay_start_2:
0x194: {  	(tag) =	ssettag $0x2  }
0x195: {  	s0 =	rddreg [dreg:$0x0];
	s2 =	stileid.u32  }
0x196: {  	s1 =	rddreg [dreg:$0x1];
	p0 =	sne.s32 s2, $0x0  }
0x197: {  	s3 =	rddreg [dreg:$0x2];
	[bflag:$0x3] =	sbarrier.arrive $0xFFFF;
	s2 =	simm.s32 @!p0 $0x1C02  }
0x198: {  	[timem:s3], [sflag:s2] =	dma.local @!p0 [hbm:s0], s1  }
0x199: {  	s0 =	simm.s32 @!p0 $0x2  }
0x19a: {  	_ =	swait.ge @!p0 [sflag:s0], s1  }
0x19b: {  	s1 =	ssub.s32 @!p0 $0x0, s1;
	[sflag:s0] =	ssyncset.done @!p0 $0x0  }
0x19c: {  	[sflag:s0] =	ssyncadd.s32 @!p0 s1  }
0x19d: {  	[bflag:$0x3] =	sbarrier.arrive $0xFFFF  }
0x19e: {  	_ =	shalt  }

</sc_bundles>
